<compile_context>
chip_gen: v7x
topology: tpu7x:2x2x1
jax: 0.10.2.dev20260603
libtpu: 0.0.44.dev20260713+nightly
codegen_flags: <defaults>
</compile_context>

<pallas_src>
import functools

import jax
import jax.numpy as jnp
from jax import lax
from jax.experimental import pallas as pl
from jax.experimental.pallas import tpu as pltpu
from jax.experimental.pallas import tpu_sc as plsc

N = 10000
E = 320000
D = 128
B = 64

NC = 2
NS = 16
NW = NC * NS
L = 16

NPAD = 10240
RPS = NPAD // NS
EPT = E // NW
K = 80
CH = EPT // K

_mesh = plsc.VectorSubcoreMesh(core_axis_name="c", subcore_axis_name="s")


def _sc_deg(dst):

    @functools.partial(
        pl.kernel, mesh=_mesh,
        out_type=jax.ShapeDtypeStruct((2 * NPAD, 16), jnp.float32),
        scratch_types=[
            pltpu.VMEM((K,), jnp.int32),
            pltpu.VMEM((K, L), jnp.float32),
            pltpu.VMEM((K, L), jnp.float32),
            pltpu.VMEM_SHARED((NPAD, L), jnp.float32),
        ],
    )
    def k(dst_hbm, out_hbm, idx_v, ones_v, zero_v, deg_sh):
        c = lax.axis_index("c")
        s = lax.axis_index("s")
        wid = c * NS + s

        one16 = jnp.ones((L,), jnp.float32)
        zero16 = jnp.zeros((L,), jnp.float32)

        @pl.loop(0, K)
        def _(r):
            ones_v[r] = one16
            zero_v[r] = zero16

        @pl.loop(0, RPS // K)
        def _(j):
            pltpu.sync_copy(zero_v, deg_sh.at[pl.ds(s * RPS + j * K, K)])

        plsc.subcore_barrier()

        base = wid * EPT

        @pl.loop(0, CH)
        def _(g):
            pltpu.sync_copy(dst_hbm.at[pl.ds(base + g * K, K)], idx_v)
            pltpu.sync_copy(ones_v, deg_sh.at[idx_v], add=True)

        plsc.subcore_barrier()
        pltpu.sync_copy(
            deg_sh.at[pl.ds(s * RPS, RPS)],
            out_hbm.at[pl.ds(c * NPAD + s * RPS, RPS)],
        )

    return k(dst)


def _sc_edge(hp, src, dst):

    @functools.partial(
        pl.kernel, mesh=_mesh,
        out_type=jax.ShapeDtypeStruct((2 * NPAD, D), jnp.float32),
        scratch_types=[
            pltpu.VMEM((K,), jnp.int32),
            pltpu.VMEM((K,), jnp.int32),
            pltpu.VMEM((K, D), jnp.float32),
            pltpu.VMEM_SHARED((NPAD, D), jnp.float32),
        ],
    )
    def k(hp_hbm, src_hbm, dst_hbm, out_hbm, si_v, di_v, rows_v, acc_sh):
        c = lax.axis_index("c")
        s = lax.axis_index("s")
        wid = c * NS + s

        zero16 = jnp.zeros((L,), jnp.float32)

        @pl.loop(0, K)
        def _(r):
            @pl.loop(0, D // L)
            def _(j):
                rows_v[r, pl.ds(j * L, L)] = zero16

        @pl.loop(0, RPS // K)
        def _(j):
            pltpu.sync_copy(rows_v, acc_sh.at[pl.ds(s * RPS + j * K, K)])

        plsc.subcore_barrier()

        base = wid * EPT

        @pl.loop(0, CH)
        def _(g):
            pltpu.sync_copy(src_hbm.at[pl.ds(base + g * K, K)], si_v)
            pltpu.sync_copy(dst_hbm.at[pl.ds(base + g * K, K)], di_v)
            pltpu.sync_copy(hp_hbm.at[si_v], rows_v)
            pltpu.sync_copy(rows_v, acc_sh.at[di_v], add=True)

        plsc.subcore_barrier()
        pltpu.sync_copy(
            acc_sh.at[pl.ds(s * RPS, RPS)],
            out_hbm.at[pl.ds(c * NPAD + s * RPS, RPS)],
        )

    return k(hp, src, dst)


R = 1000
NB = N // R


def _tc_mm1(x, deg2, W1):

    def body(x_ref, d_ref, w_ref, h_ref, hp_ref, dis_ref):
        degv = d_ref[0, :, 0:1] + d_ref[1, :, 0:1] + 1.0
        dis = lax.rsqrt(degv)
        h = jnp.dot(x_ref[...], w_ref[...], preferred_element_type=jnp.float32)
        h_ref[...] = h
        hp_ref[...] = h * dis
        dis_ref[...] = dis

    return pl.pallas_call(
        body,
        grid=(NB,),
        in_specs=[
            pl.BlockSpec((R, D), lambda i: (i, 0)),
            pl.BlockSpec((2, R, L), lambda i: (0, i, 0)),
            pl.BlockSpec((D, D), lambda i: (0, 0)),
        ],
        out_specs=[
            pl.BlockSpec((R, D), lambda i: (i, 0)),
            pl.BlockSpec((R, D), lambda i: (i, 0)),
            pl.BlockSpec((R, 1), lambda i: (i, 0)),
        ],
        out_shape=[
            jax.ShapeDtypeStruct((N, D), jnp.float32),
            jax.ShapeDtypeStruct((N, D), jnp.float32),
            jax.ShapeDtypeStruct((N, 1), jnp.float32),
        ],
    )(x, deg2, W1)


def _tc_layer2(acc, h1, x, dis, b1, g1, be1, W2):

    def body(a_ref, h1_ref, x_ref, dis_ref, b1_ref, g1_ref, be1_ref, w2_ref,
             hres_ref, h2_ref, hp2_ref):
        d = dis_ref[...]
        h1 = h1_ref[...]
        o = d * (a_ref[0] + a_ref[1]) + (d * d) * h1 + b1_ref[...]
        m = jnp.mean(o, axis=-1, keepdims=True)
        v = jnp.mean((o - m) ** 2, axis=-1, keepdims=True)
        o = (o - m) * lax.rsqrt(v + 1e-5) * g1_ref[...] + be1_ref[...]
        o = jnp.maximum(o, 0.0) + x_ref[...]
        hres_ref[...] = o
        h2 = jnp.dot(o, w2_ref[...], preferred_element_type=jnp.float32)
        h2_ref[...] = h2
        hp2_ref[...] = h2 * d

    return pl.pallas_call(
        body,
        grid=(NB,),
        in_specs=[
            pl.BlockSpec((2, R, D), lambda i: (0, i, 0)),
            pl.BlockSpec((R, D), lambda i: (i, 0)),
            pl.BlockSpec((R, D), lambda i: (i, 0)),
            pl.BlockSpec((R, 1), lambda i: (i, 0)),
            pl.BlockSpec((1, D), lambda i: (0, 0)),
            pl.BlockSpec((1, D), lambda i: (0, 0)),
            pl.BlockSpec((1, D), lambda i: (0, 0)),
            pl.BlockSpec((D, D), lambda i: (0, 0)),
        ],
        out_specs=[
            pl.BlockSpec((R, D), lambda i: (i, 0)),
            pl.BlockSpec((R, D), lambda i: (i, 0)),
            pl.BlockSpec((R, D), lambda i: (i, 0)),
        ],
        out_shape=[
            jax.ShapeDtypeStruct((N, D), jnp.float32),
            jax.ShapeDtypeStruct((N, D), jnp.float32),
            jax.ShapeDtypeStruct((N, D), jnp.float32),
        ],
    )(acc, h1, x, dis, b1, g1, be1, W2)


def _tc_pool(acc, h2, hres, dis, b2, g2, be2, batch3, Wout, bout):

    def body(a_ref, h2_ref, hres_ref, dis_ref, b2_ref, g2_ref, be2_ref,
             bat_ref, wo_ref, bo_ref, out_ref, sums_ref, cnt_ref):
        i = pl.program_id(0)

        @pl.when(i == 0)
        def _():
            sums_ref[...] = jnp.zeros((B, D), jnp.float32)
            cnt_ref[...] = jnp.zeros((B, 1), jnp.float32)

        d = dis_ref[...]
        h2 = h2_ref[...]
        o = d * (a_ref[0] + a_ref[1]) + (d * d) * h2 + b2_ref[...]
        m = jnp.mean(o, axis=-1, keepdims=True)
        v = jnp.mean((o - m) ** 2, axis=-1, keepdims=True)
        o = (o - m) * lax.rsqrt(v + 1e-5) * g2_ref[...] + be2_ref[...]
        o = jnp.maximum(o, 0.0) + hres_ref[...]

        seg = lax.broadcasted_iota(jnp.int32, (B, 1), 0)
        mask = (bat_ref[0] == seg).astype(jnp.float32)
        sums_ref[...] += jnp.dot(mask, o, preferred_element_type=jnp.float32)
        cnt_ref[...] += jnp.sum(mask, axis=1, keepdims=True)

        @pl.when(i == NB - 1)
        def _():
            hG = sums_ref[...] / jnp.maximum(cnt_ref[...], 1.0)
            out_ref[...] = (
                jnp.dot(hG, wo_ref[...], preferred_element_type=jnp.float32)
                + bo_ref[...]
            )

    return pl.pallas_call(
        body,
        grid=(NB,),
        in_specs=[
            pl.BlockSpec((2, R, D), lambda i: (0, i, 0)),
            pl.BlockSpec((R, D), lambda i: (i, 0)),
            pl.BlockSpec((R, D), lambda i: (i, 0)),
            pl.BlockSpec((R, 1), lambda i: (i, 0)),
            pl.BlockSpec((1, D), lambda i: (0, 0)),
            pl.BlockSpec((1, D), lambda i: (0, 0)),
            pl.BlockSpec((1, D), lambda i: (0, 0)),
            pl.BlockSpec((1, 1, R), lambda i: (i, 0, 0)),
            pl.BlockSpec((D, D), lambda i: (0, 0)),
            pl.BlockSpec((1, D), lambda i: (0, 0)),
        ],
        out_specs=pl.BlockSpec((B, D), lambda i: (0, 0)),
        out_shape=jax.ShapeDtypeStruct((B, D), jnp.float32),
        scratch_shapes=[
            pltpu.VMEM((B, D), jnp.float32),
            pltpu.VMEM((B, 1), jnp.float32),
        ],
    )(acc, h2, hres, dis, b2, g2, be2, batch3, Wout, bout)


def kernel(x, edge_index, batch, W1, b1, g1, be1, W2, b2, g2, be2, Wout, bout):
    src = edge_index[0]
    dst = edge_index[1]
    b1r, g1r, be1r = b1.reshape(1, D), g1.reshape(1, D), be1.reshape(1, D)
    b2r, g2r, be2r = b2.reshape(1, D), g2.reshape(1, D), be2.reshape(1, D)
    boutr = bout.reshape(1, D)
    batch3 = batch.reshape(NB, 1, R)

    deg2 = _sc_deg(dst).reshape(2, NPAD, L)
    h1, hp1, dis = _tc_mm1(x, deg2, W1)
    acc1 = _sc_edge(hp1, src, dst).reshape(2, NPAD, D)
    hres, h2, hp2 = _tc_layer2(acc1, h1, x, dis, b1r, g1r, be1r, W2)
    acc2 = _sc_edge(hp2, src, dst).reshape(2, NPAD, D)
    return _tc_pool(acc2, h2, hres, dis, b2r, g2r, be2r, batch3, Wout, boutr)

# --- scband reference (transcript-rebuilt; emitter-appended) ---
"""Pipeline reference for scband-syntax-gnnencoder-60559038873899 (READ-ONLY COPY).

The authoritative reference and input builder live on the scoring server;
editing this copy changes nothing except your own understanding.
"""

import jax, jax.numpy as jnp
import numpy as np

N = 10000
E = 320000
D = 128
B = 64


def _layer_norm(x, g, b, eps=1e-5):
    m = jnp.mean(x, axis=-1, keepdims=True)
    v = jnp.mean((x - m) ** 2, axis=-1, keepdims=True)
    return (x - m) / jnp.sqrt(v + eps) * g + b


def setup_inputs(seed: int = 0) -> dict:
    key = jax.random.key(seed)
    ks = jax.random.split(key, 12)
    x = jax.random.normal(ks[0], (N, D), dtype=jnp.float32)
    edge_index = jax.random.randint(ks[1], (2, E), 0, N, dtype=jnp.int32)
    batch = jnp.sort(jax.random.randint(ks[2], (N,), 0, B, dtype=jnp.int32))
    s = 1.0 / np.sqrt(D)
    W1 = jax.random.normal(ks[3], (D, D), dtype=jnp.float32) * s
    b1 = jnp.zeros((D,), dtype=jnp.float32)
    g1 = jnp.ones((D,), dtype=jnp.float32)
    be1 = jnp.zeros((D,), dtype=jnp.float32)
    W2 = jax.random.normal(ks[4], (D, D), dtype=jnp.float32) * s
    b2 = jnp.zeros((D,), dtype=jnp.float32)
    g2 = jnp.ones((D,), dtype=jnp.float32)
    be2 = jnp.zeros((D,), dtype=jnp.float32)
    Wout = jax.random.normal(ks[5], (D, D), dtype=jnp.float32) * s
    bout = jnp.zeros((D,), dtype=jnp.float32)
    return {"x": x, "edge_index": edge_index, "batch": batch,
            "W1": W1, "b1": b1, "g1": g1, "be1": be1,
            "W2": W2, "b2": b2, "g2": g2, "be2": be2,
            "Wout": Wout, "bout": bout}


def _gcn_layer(x, edge_index, W, b):
    # GCNConv: linear transform, add self-loops, symmetric normalization, scatter-add, bias
    loop = jnp.arange(N, dtype=edge_index.dtype)
    src = jnp.concatenate([edge_index[0], loop])
    dst = jnp.concatenate([edge_index[1], loop])
    deg = jnp.zeros((N,), x.dtype).at[dst].add(1.0)
    dis = jnp.where(deg > 0, jax.lax.rsqrt(jnp.maximum(deg, 1e-12)), 0.0)
    norm = dis[src] * dis[dst]
    h = x @ W
    msg = h[src] * norm[:, None]
    out = jnp.zeros((N, W.shape[1]), x.dtype).at[dst].add(msg)
    return out + b


def reference(x, edge_index, batch, W1, b1, g1, be1, W2, b2, g2, be2, Wout, bout):
    # layer 1 (in_dim == hidden_dim -> residual applies)
    h = _gcn_layer(x, edge_index, W1, b1)
    h = _layer_norm(h, g1, be1)
    h = jax.nn.relu(h)
    h = h + x  # residual; dropout is identity in eval mode
    # layer 2
    h2 = _gcn_layer(h, edge_index, W2, b2)
    h2 = _layer_norm(h2, g2, be2)
    h2 = jax.nn.relu(h2)
    h2 = h2 + h
    # global mean pool over batch vector
    sums = jax.ops.segment_sum(h2, batch, num_segments=B)
    cnt = jax.ops.segment_sum(jnp.ones((N, 1), h2.dtype), batch, num_segments=B)
    hG = sums / jnp.maximum(cnt, 1.0)
    return hG @ Wout + bout

if __name__ == "__main__":
    import jax
    _d = setup_inputs()
    print(jax.jit(kernel)(*tuple(_d.values())))

</pallas_src>

<mosaic_0001>
#map = affine_map<(d0, d1) -> (0)>
#map1 = affine_map<(d0, d1) -> (0, 0)>
module attributes {stable_mosaic.version = 14 : i64} {
  func.func @k(%arg0: i32, %arg1: i32, %arg2: memref<320000xi32, #tpu.memory_space<hbm>>, %arg3: memref<20480x16xf32, #tpu.memory_space<hbm>>, %arg4: memref<80xi32, #tpu.memory_space<vmem>>, %arg5: memref<80x16xf32, #tpu.memory_space<vmem>>, %arg6: memref<80x16xf32, #tpu.memory_space<vmem>>, %arg7: memref<10240x16xf32, #tpu.memory_space<vmem_shared>>) attributes {dimension_semantics = [#tpu.dimension_semantics<core_parallel>, #tpu.dimension_semantics<subcore_parallel>], iteration_bounds = array<i64: 2, 16>, scalar_prefetch = 0 : i64, scratch_operands = 4 : i64, tpu.core_type = #tpu.core_type<sc_vector_subcore>, window_params = [{transform_indices = #map}, {transform_indices = #map1}]} {
    %mul3A = arith.constant 16 : i32
    %mul3A_0 = arith.muli %arg0, %mul3A : i32
    %add3A = arith.addi %mul3A_0, %arg1 : i32
    %broadcast_in_dim3A = arith.constant 1.000000e+00 : f32
    %broadcast_in_dim3A_1 = vector.broadcast %broadcast_in_dim3A : f32 to vector<16xf32>
    %broadcast_in_dim3A_2 = arith.constant 0.000000e+00 : f32
    %broadcast_in_dim3A_3 = vector.broadcast %broadcast_in_dim3A_2 : f32 to vector<16xf32>
    %scan3A = arith.constant 0 : i32
    %scan3A_4 = arith.constant 80 : i32
    %scan3A_5 = arith.addi %scan3A, %scan3A_4 : i32
    %scan3A_6 = arith.constant 1 : i32
    scf.for %scan3A_28 = %scan3A to %scan3A_5 step %scan3A_6  : i32 {
      %mul3A_29 = arith.constant 1 : i32
      %mul3A_30 = arith.muli %scan3A_28, %mul3A_29 : i32
      %add3A_31 = arith.constant 0 : i32
      %add3A_32 = arith.addi %add3A_31, %mul3A_30 : i32
      %swap3A = arith.index_cast %add3A_32 : i32 to index
      %swap3A_33 = arith.constant 0 : index
      %swap3A_34 = tpu.vector_load %arg5[%swap3A, %swap3A_33] {strides = array<i32>} : memref<80x16xf32, #tpu.memory_space<vmem>>, vector<1x16xf32>,
      %swap3A_35 = vector.shape_cast %swap3A_34 : vector<1x16xf32> to vector<16xf32>
      %swap3A_36 = vector.shape_cast %broadcast_in_dim3A_1 : vector<16xf32> to vector<1x16xf32>
      tpu.vector_store %arg5[%swap3A, %swap3A_33], %swap3A_36 {strides = array<i32>} : memref<80x16xf32, #tpu.memory_space<vmem>>, vector<1x16xf32>,
      %swap3A_37 = arith.index_cast %add3A_32 : i32 to index
      %swap3A_38 = arith.constant 0 : index
      %swap3A_39 = tpu.vector_load %arg6[%swap3A_37, %swap3A_38] {strides = array<i32>} : memref<80x16xf32, #tpu.memory_space<vmem>>, vector<1x16xf32>,
      %swap3A_40 = vector.shape_cast %swap3A_39 : vector<1x16xf32> to vector<16xf32>
      %swap3A_41 = vector.shape_cast %broadcast_in_dim3A_3 : vector<16xf32> to vector<1x16xf32>
      tpu.vector_store %arg6[%swap3A_37, %swap3A_38], %swap3A_41 {strides = array<i32>} : memref<80x16xf32, #tpu.memory_space<vmem>>, vector<1x16xf32>,
    }
    %scan3A_7 = arith.constant 80 : i32
    %scan3A_8 = arith.constant 0 : i32
    %scan3A_9 = arith.constant 8 : i32
    %scan3A_10 = arith.addi %scan3A_8, %scan3A_9 : i32
    %scan3A_11 = arith.constant 1 : i32
    scf.for %scan3A_28 = %scan3A_8 to %scan3A_10 step %scan3A_11  : i32 {
      %mul3A_29 = arith.constant 1 : i32
      %mul3A_30 = arith.muli %scan3A_28, %mul3A_29 : i32
      %add3A_31 = arith.constant 0 : i32
      %add3A_32 = arith.addi %add3A_31, %mul3A_30 : i32
      %mul3A_33 = arith.constant 640 : i32
      %mul3A_34 = arith.muli %arg1, %mul3A_33 : i32
      %mul3A_35 = arith.constant 80 : i32
      %mul3A_36 = arith.muli %add3A_32, %mul3A_35 : i32
      %add3A_37 = arith.addi %mul3A_34, %mul3A_36 : i32
      "tpu.region"() ({
        %run_scoped3A = tpu.sem_alloc : memref<!tpu.dma_semaphore, #tpu.memory_space<semaphore_mem>>
        %dma_start3A = arith.constant 0 : i32
        %dma_start3A_38 = tpu.memref_slice %arg7[%add3A_37, %dma_start3A] : memref<10240x16xf32, #tpu.memory_space<vmem_shared>> -> memref<80x16xf32, #tpu.memory_space<vmem_shared>>
        %dma_start3A_39 = arith.constant 0 : i32
        %dma_start3A_40 = tpu.memref_slice %arg7[%add3A_37, %dma_start3A_39] : memref<10240x16xf32, #tpu.memory_space<vmem_shared>> -> memref<80x16xf32, #tpu.memory_space<vmem_shared>>
        tpu.enqueue_dma source(%arg6 : memref<80x16xf32, #tpu.memory_space<vmem>>) target(%dma_start3A_40 : memref<80x16xf32, #tpu.memory_space<vmem_shared>>) target_semaphore(%run_scoped3A : memref<!tpu.dma_semaphore, #tpu.memory_space<semaphore_mem>>)
        %dma_wait3A = arith.constant 0 : i32
        %dma_wait3A_41 = tpu.memref_slice %arg7[%add3A_37, %dma_wait3A] : memref<10240x16xf32, #tpu.memory_space<vmem_shared>> -> memref<80x16xf32, #tpu.memory_space<vmem_shared>>
        %dma_wait3A_42 = arith.constant 0 : i32
        %dma_wait3A_43 = tpu.memref_slice %arg7[%add3A_37, %dma_wait3A_42] : memref<10240x16xf32, #tpu.memory_space<vmem_shared>> -> memref<80x16xf32, #tpu.memory_space<vmem_shared>>
        tpu.wait_dma2 semaphore(%run_scoped3A : memref<!tpu.dma_semaphore, #tpu.memory_space<semaphore_mem>>) src(%arg6 : memref<80x16xf32, #tpu.memory_space<vmem>>) dst(%dma_wait3A_43 : memref<80x16xf32, #tpu.memory_space<vmem_shared>>)
        tpu.yield
      }) : () -> ()
    }
    %scan3A_12 = arith.constant 8 : i32
    %barrier3A = arith.constant 0 : index
    tpu.barrier barrier_id(%barrier3A)
    %mul3A_13 = arith.constant 10000 : i32
    %mul3A_14 = arith.muli %add3A, %mul3A_13 : i32
    %scan3A_15 = arith.constant 0 : i32
    %scan3A_16 = arith.constant 125 : i32
    %scan3A_17 = arith.addi %scan3A_15, %scan3A_16 : i32
    %scan3A_18 = arith.constant 1 : i32
    scf.for %scan3A_28 = %scan3A_15 to %scan3A_17 step %scan3A_18  : i32 {
      %mul3A_29 = arith.constant 1 : i32
      %mul3A_30 = arith.muli %scan3A_28, %mul3A_29 : i32
      %add3A_31 = arith.constant 0 : i32
      %add3A_32 = arith.addi %add3A_31, %mul3A_30 : i32
      %mul3A_33 = arith.constant 80 : i32
      %mul3A_34 = arith.muli %add3A_32, %mul3A_33 : i32
      %add3A_35 = arith.addi %mul3A_14, %mul3A_34 : i32
      "tpu.region"() ({
        %run_scoped3A = tpu.sem_alloc : memref<!tpu.dma_semaphore, #tpu.memory_space<semaphore_mem>>
        %dma_start3A = tpu.memref_slice %arg2[%add3A_35] : memref<320000xi32, #tpu.memory_space<hbm>> -> memref<80xi32, #tpu.memory_space<hbm>>
        %dma_start3A_36 = tpu.memref_slice %arg2[%add3A_35] : memref<320000xi32, #tpu.memory_space<hbm>> -> memref<80xi32, #tpu.memory_space<hbm>>
        tpu.enqueue_dma source(%dma_start3A_36 : memref<80xi32, #tpu.memory_space<hbm>>) target(%arg4 : memref<80xi32, #tpu.memory_space<vmem>>) target_semaphore(%run_scoped3A : memref<!tpu.dma_semaphore, #tpu.memory_space<semaphore_mem>>)
        %dma_wait3A = tpu.memref_slice %arg2[%add3A_35] : memref<320000xi32, #tpu.memory_space<hbm>> -> memref<80xi32, #tpu.memory_space<hbm>>
        %dma_wait3A_37 = tpu.memref_slice %arg2[%add3A_35] : memref<320000xi32, #tpu.memory_space<hbm>> -> memref<80xi32, #tpu.memory_space<hbm>>
        tpu.wait_dma2 semaphore(%run_scoped3A : memref<!tpu.dma_semaphore, #tpu.memory_space<semaphore_mem>>) src(%dma_wait3A_37 : memref<80xi32, #tpu.memory_space<hbm>>) dst(%arg4 : memref<80xi32, #tpu.memory_space<vmem>>)
        tpu.yield
      }) : () -> ()
      "tpu.region"() ({
        %run_scoped3A = tpu.sem_alloc : memref<!tpu.dma_semaphore, #tpu.memory_space<semaphore_mem>>
        %dma_start3A = arith.constant 0 : i32
        %dma_start3A_36 = arith.constant 0 : i32
        %dma_start3A_37 = tpu.memref_slice %arg7[%dma_start3A, %dma_start3A_36] : memref<10240x16xf32, #tpu.memory_space<vmem_shared>> -> memref<10240x16xf32, #tpu.memory_space<vmem_shared>>
        tpu.enqueue_indirect_dma source(%arg5 : memref<80x16xf32, #tpu.memory_space<vmem>>) target(%dma_start3A_37 : memref<10240x16xf32, #tpu.memory_space<vmem_shared>>) offsets(%arg4 : memref<80xi32, #tpu.memory_space<vmem>>) semaphore(%run_scoped3A : memref<!tpu.dma_semaphore, #tpu.memory_space<semaphore_mem>>) {add = true}
        %dma_wait3A = arith.constant 0 : i32
        %dma_wait3A_38 = arith.constant 0 : i32
        %dma_wait3A_39 = tpu.memref_slice %arg7[%dma_wait3A, %dma_wait3A_38] : memref<10240x16xf32, #tpu.memory_space<vmem_shared>> -> memref<10240x16xf32, #tpu.memory_space<vmem_shared>>
        tpu.wait_indirect_dma semaphore(%run_scoped3A : memref<!tpu.dma_semaphore, #tpu.memory_space<semaphore_mem>>) src(%arg5 : memref<80x16xf32, #tpu.memory_space<vmem>>) dst(%dma_wait3A_39 : memref<10240x16xf32, #tpu.memory_space<vmem_shared>>)
        tpu.yield
      }) : () -> ()
    }
    %scan3A_19 = arith.constant 125 : i32
    %barrier3A_20 = arith.constant 0 : index
    tpu.barrier barrier_id(%barrier3A_20)
    %mul3A_21 = arith.constant 640 : i32
    %mul3A_22 = arith.muli %arg1, %mul3A_21 : i32
    %mul3A_23 = arith.constant 10240 : i32
    %mul3A_24 = arith.muli %arg0, %mul3A_23 : i32
    %mul3A_25 = arith.constant 640 : i32
    %mul3A_26 = arith.muli %arg1, %mul3A_25 : i32
    %add3A_27 = arith.addi %mul3A_24, %mul3A_26 : i32
    "tpu.region"() ({
      %run_scoped3A = tpu.sem_alloc : memref<!tpu.dma_semaphore, #tpu.memory_space<semaphore_mem>>
      %dma_start3A = arith.constant 0 : i32
      %dma_start3A_28 = tpu.memref_slice %arg3[%add3A_27, %dma_start3A] : memref<20480x16xf32, #tpu.memory_space<hbm>> -> memref<640x16xf32, #tpu.memory_space<hbm>>
      %dma_start3A_29 = arith.constant 0 : i32
      %dma_start3A_30 = tpu.memref_slice %arg7[%mul3A_22, %dma_start3A_29] : memref<10240x16xf32, #tpu.memory_space<vmem_shared>> -> memref<640x16xf32, #tpu.memory_space<vmem_shared>>
      tpu.enqueue_dma source(%dma_start3A_30 : memref<640x16xf32, #tpu.memory_space<vmem_shared>>) target(%dma_start3A_28 : memref<640x16xf32, #tpu.memory_space<hbm>>) target_semaphore(%run_scoped3A : memref<!tpu.dma_semaphore, #tpu.memory_space<semaphore_mem>>)
      %dma_wait3A = arith.constant 0 : i32
      %dma_wait3A_31 = tpu.memref_slice %arg3[%add3A_27, %dma_wait3A] : memref<20480x16xf32, #tpu.memory_space<hbm>> -> memref<640x16xf32, #tpu.memory_space<hbm>>
      %dma_wait3A_32 = arith.constant 0 : i32
      %dma_wait3A_33 = tpu.memref_slice %arg7[%mul3A_22, %dma_wait3A_32] : memref<10240x16xf32, #tpu.memory_space<vmem_shared>> -> memref<640x16xf32, #tpu.memory_space<vmem_shared>>
      tpu.wait_dma2 semaphore(%run_scoped3A : memref<!tpu.dma_semaphore, #tpu.memory_space<semaphore_mem>>) src(%dma_wait3A_33 : memref<640x16xf32, #tpu.memory_space<vmem_shared>>) dst(%dma_wait3A_31 : memref<640x16xf32, #tpu.memory_space<hbm>>)
      tpu.yield
    }) : () -> ()
    return
  }
}

#map = affine_map<(d0, d1) -> (0, 0)>
#map1 = affine_map<(d0, d1) -> (0)>
module attributes {stable_mosaic.version = 14 : i64} {
  func.func @k(%arg0: i32, %arg1: i32, %arg2: memref<10000x128xf32, #tpu.memory_space<hbm>>, %arg3: memref<320000xi32, #tpu.memory_space<hbm>>, %arg4: memref<320000xi32, #tpu.memory_space<hbm>>, %arg5: memref<20480x128xf32, #tpu.memory_space<hbm>>, %arg6: memref<80xi32, #tpu.memory_space<vmem>>, %arg7: memref<80xi32, #tpu.memory_space<vmem>>, %arg8: memref<80x128xf32, #tpu.memory_space<vmem>>, %arg9: memref<10240x128xf32, #tpu.memory_space<vmem_shared>>) attributes {dimension_semantics = [#tpu.dimension_semantics<core_parallel>, #tpu.dimension_semantics<subcore_parallel>], iteration_bounds = array<i64: 2, 16>, scalar_prefetch = 0 : i64, scratch_operands = 4 : i64, tpu.core_type = #tpu.core_type<sc_vector_subcore>, window_params = [{transform_indices = #map}, {transform_indices = #map1}, {transform_indices = #map1}, {transform_indices = #map}]} {
    %mul3A = arith.constant 16 : i32
    %mul3A_0 = arith.muli %arg0, %mul3A : i32
    %add3A = arith.addi %mul3A_0, %arg1 : i32
    %broadcast_in_dim3A = arith.constant 0.000000e+00 : f32
    %broadcast_in_dim3A_1 = vector.broadcast %broadcast_in_dim3A : f32 to vector<16xf32>
    %scan3A = arith.constant 0 : i32
    %scan3A_2 = arith.constant 80 : i32
    %scan3A_3 = arith.addi %scan3A, %scan3A_2 : i32
    %scan3A_4 = arith.constant 1 : i32
    scf.for %scan3A_26 = %scan3A to %scan3A_3 step %scan3A_4  : i32 {
      %mul3A_27 = arith.constant 1 : i32
      %mul3A_28 = arith.muli %scan3A_26, %mul3A_27 : i32
      %add3A_29 = arith.constant 0 : i32
      %add3A_30 = arith.addi %add3A_29, %mul3A_28 : i32
      %scan3A_31 = arith.constant 0 : i32
      %scan3A_32 = arith.constant 8 : i32
      %scan3A_33 = arith.addi %scan3A_31, %scan3A_32 : i32
      %scan3A_34 = arith.constant 1 : i32
      scf.for %scan3A_36 = %scan3A_31 to %scan3A_33 step %scan3A_34  : i32 {
        %mul3A_37 = arith.constant 1 : i32
        %mul3A_38 = arith.muli %scan3A_36, %mul3A_37 : i32
        %add3A_39 = arith.constant 0 : i32
        %add3A_40 = arith.addi %add3A_39, %mul3A_38 : i32
        %mul3A_41 = arith.constant 16 : i32
        %mul3A_42 = arith.muli %add3A_40, %mul3A_41 : i32
        %swap3A = arith.index_cast %add3A_30 : i32 to index
        %swap3A_43 = arith.index_cast %mul3A_42 : i32 to index
        %swap3A_44 = tpu.vector_load %arg8[%swap3A, %swap3A_43] {strides = array<i32>} : memref<80x128xf32, #tpu.memory_space<vmem>>, vector<1x16xf32>,
        %swap3A_45 = vector.shape_cast %swap3A_44 : vector<1x16xf32> to vector<16xf32>
        %swap3A_46 = vector.shape_cast %broadcast_in_dim3A_1 : vector<16xf32> to vector<1x16xf32>
        tpu.vector_store %arg8[%swap3A, %swap3A_43], %swap3A_46 {strides = array<i32>} : memref<80x128xf32, #tpu.memory_space<vmem>>, vector<1x16xf32>,
      }
      %scan3A_35 = arith.constant 8 : i32
    }
    %scan3A_5 = arith.constant 80 : i32
    %scan3A_6 = arith.constant 0 : i32
    %scan3A_7 = arith.constant 8 : i32
    %scan3A_8 = arith.addi %scan3A_6, %scan3A_7 : i32
    %scan3A_9 = arith.constant 1 : i32
    scf.for %scan3A_26 = %scan3A_6 to %scan3A_8 step %scan3A_9  : i32 {
      %mul3A_27 = arith.constant 1 : i32
      %mul3A_28 = arith.muli %scan3A_26, %mul3A_27 : i32
      %add3A_29 = arith.constant 0 : i32
      %add3A_30 = arith.addi %add3A_29, %mul3A_28 : i32
      %mul3A_31 = arith.constant 640 : i32
      %mul3A_32 = arith.muli %arg1, %mul3A_31 : i32
      %mul3A_33 = arith.constant 80 : i32
      %mul3A_34 = arith.muli %add3A_30, %mul3A_33 : i32
      %add3A_35 = arith.addi %mul3A_32, %mul3A_34 : i32
      "tpu.region"() ({
        %run_scoped3A = tpu.sem_alloc : memref<!tpu.dma_semaphore, #tpu.memory_space<semaphore_mem>>
        %dma_start3A = arith.constant 0 : i32
        %dma_start3A_36 = tpu.memref_slice %arg9[%add3A_35, %dma_start3A] : memref<10240x128xf32, #tpu.memory_space<vmem_shared>> -> memref<80x128xf32, #tpu.memory_space<vmem_shared>>
        %dma_start3A_37 = arith.constant 0 : i32
        %dma_start3A_38 = tpu.memref_slice %arg9[%add3A_35, %dma_start3A_37] : memref<10240x128xf32, #tpu.memory_space<vmem_shared>> -> memref<80x128xf32, #tpu.memory_space<vmem_shared>>
        tpu.enqueue_dma source(%arg8 : memref<80x128xf32, #tpu.memory_space<vmem>>) target(%dma_start3A_38 : memref<80x128xf32, #tpu.memory_space<vmem_shared>>) target_semaphore(%run_scoped3A : memref<!tpu.dma_semaphore, #tpu.memory_space<semaphore_mem>>)
        %dma_wait3A = arith.constant 0 : i32
        %dma_wait3A_39 = tpu.memref_slice %arg9[%add3A_35, %dma_wait3A] : memref<10240x128xf32, #tpu.memory_space<vmem_shared>> -> memref<80x128xf32, #tpu.memory_space<vmem_shared>>
        %dma_wait3A_40 = arith.constant 0 : i32
        %dma_wait3A_41 = tpu.memref_slice %arg9[%add3A_35, %dma_wait3A_40] : memref<10240x128xf32, #tpu.memory_space<vmem_shared>> -> memref<80x128xf32, #tpu.memory_space<vmem_shared>>
        tpu.wait_dma2 semaphore(%run_scoped3A : memref<!tpu.dma_semaphore, #tpu.memory_space<semaphore_mem>>) src(%arg8 : memref<80x128xf32, #tpu.memory_space<vmem>>) dst(%dma_wait3A_41 : memref<80x128xf32, #tpu.memory_space<vmem_shared>>)
        tpu.yield
      }) : () -> ()
    }
    %scan3A_10 = arith.constant 8 : i32
    %barrier3A = arith.constant 0 : index
    tpu.barrier barrier_id(%barrier3A)
    %mul3A_11 = arith.constant 10000 : i32
    %mul3A_12 = arith.muli %add3A, %mul3A_11 : i32
    %scan3A_13 = arith.constant 0 : i32
    %scan3A_14 = arith.constant 125 : i32
    %scan3A_15 = arith.addi %scan3A_13, %scan3A_14 : i32
    %scan3A_16 = arith.constant 1 : i32
    scf.for %scan3A_26 = %scan3A_13 to %scan3A_15 step %scan3A_16  : i32 {
      %mul3A_27 = arith.constant 1 : i32
      %mul3A_28 = arith.muli %scan3A_26, %mul3A_27 : i32
      %add3A_29 = arith.constant 0 : i32
      %add3A_30 = arith.addi %add3A_29, %mul3A_28 : i32
      %mul3A_31 = arith.constant 80 : i32
      %mul3A_32 = arith.muli %add3A_30, %mul3A_31 : i32
      %add3A_33 = arith.addi %mul3A_12, %mul3A_32 : i32
      "tpu.region"() ({
        %run_scoped3A = tpu.sem_alloc : memref<!tpu.dma_semaphore, #tpu.memory_space<semaphore_mem>>
        %dma_start3A = tpu.memref_slice %arg3[%add3A_33] : memref<320000xi32, #tpu.memory_space<hbm>> -> memref<80xi32, #tpu.memory_space<hbm>>
        %dma_start3A_37 = tpu.memref_slice %arg3[%add3A_33] : memref<320000xi32, #tpu.memory_space<hbm>> -> memref<80xi32, #tpu.memory_space<hbm>>
        tpu.enqueue_dma source(%dma_start3A_37 : memref<80xi32, #tpu.memory_space<hbm>>) target(%arg6 : memref<80xi32, #tpu.memory_space<vmem>>) target_semaphore(%run_scoped3A : memref<!tpu.dma_semaphore, #tpu.memory_space<semaphore_mem>>)
        %dma_wait3A = tpu.memref_slice %arg3[%add3A_33] : memref<320000xi32, #tpu.memory_space<hbm>> -> memref<80xi32, #tpu.memory_space<hbm>>
        %dma_wait3A_38 = tpu.memref_slice %arg3[%add3A_33] : memref<320000xi32, #tpu.memory_space<hbm>> -> memref<80xi32, #tpu.memory_space<hbm>>
        tpu.wait_dma2 semaphore(%run_scoped3A : memref<!tpu.dma_semaphore, #tpu.memory_space<semaphore_mem>>) src(%dma_wait3A_38 : memref<80xi32, #tpu.memory_space<hbm>>) dst(%arg6 : memref<80xi32, #tpu.memory_space<vmem>>)
        tpu.yield
      }) : () -> ()
      %mul3A_34 = arith.constant 80 : i32
      %mul3A_35 = arith.muli %add3A_30, %mul3A_34 : i32
      %add3A_36 = arith.addi %mul3A_12, %mul3A_35 : i32
      "tpu.region"() ({
        %run_scoped3A = tpu.sem_alloc : memref<!tpu.dma_semaphore, #tpu.memory_space<semaphore_mem>>
        %dma_start3A = tpu.memref_slice %arg4[%add3A_36] : memref<320000xi32, #tpu.memory_space<hbm>> -> memref<80xi32, #tpu.memory_space<hbm>>
        %dma_start3A_37 = tpu.memref_slice %arg4[%add3A_36] : memref<320000xi32, #tpu.memory_space<hbm>> -> memref<80xi32, #tpu.memory_space<hbm>>
        tpu.enqueue_dma source(%dma_start3A_37 : memref<80xi32, #tpu.memory_space<hbm>>) target(%arg7 : memref<80xi32, #tpu.memory_space<vmem>>) target_semaphore(%run_scoped3A : memref<!tpu.dma_semaphore, #tpu.memory_space<semaphore_mem>>)
        %dma_wait3A = tpu.memref_slice %arg4[%add3A_36] : memref<320000xi32, #tpu.memory_space<hbm>> -> memref<80xi32, #tpu.memory_space<hbm>>
        %dma_wait3A_38 = tpu.memref_slice %arg4[%add3A_36] : memref<320000xi32, #tpu.memory_space<hbm>> -> memref<80xi32, #tpu.memory_space<hbm>>
        tpu.wait_dma2 semaphore(%run_scoped3A : memref<!tpu.dma_semaphore, #tpu.memory_space<semaphore_mem>>) src(%dma_wait3A_38 : memref<80xi32, #tpu.memory_space<hbm>>) dst(%arg7 : memref<80xi32, #tpu.memory_space<vmem>>)
        tpu.yield
      }) : () -> ()
      "tpu.region"() ({
        %run_scoped3A = tpu.sem_alloc : memref<!tpu.dma_semaphore, #tpu.memory_space<semaphore_mem>>
        %dma_start3A = arith.constant 0 : i32
        %dma_start3A_37 = arith.constant 0 : i32
        %dma_start3A_38 = tpu.memref_slice %arg2[%dma_start3A, %dma_start3A_37] : memref<10000x128xf32, #tpu.memory_space<hbm>> -> memref<10000x128xf32, #tpu.memory_space<hbm>>
        tpu.enqueue_indirect_dma source(%dma_start3A_38 : memref<10000x128xf32, #tpu.memory_space<hbm>>) target(%arg8 : memref<80x128xf32, #tpu.memory_space<vmem>>) offsets(%arg6 : memref<80xi32, #tpu.memory_space<vmem>>) semaphore(%run_scoped3A : memref<!tpu.dma_semaphore, #tpu.memory_space<semaphore_mem>>)
        %dma_wait3A = arith.constant 0 : i32
        %dma_wait3A_39 = arith.constant 0 : i32
        %dma_wait3A_40 = tpu.memref_slice %arg2[%dma_wait3A, %dma_wait3A_39] : memref<10000x128xf32, #tpu.memory_space<hbm>> -> memref<10000x128xf32, #tpu.memory_space<hbm>>
        tpu.wait_indirect_dma semaphore(%run_scoped3A : memref<!tpu.dma_semaphore, #tpu.memory_space<semaphore_mem>>) src(%dma_wait3A_40 : memref<10000x128xf32, #tpu.memory_space<hbm>>) dst(%arg8 : memref<80x128xf32, #tpu.memory_space<vmem>>)
        tpu.yield
      }) : () -> ()
      "tpu.region"() ({
        %run_scoped3A = tpu.sem_alloc : memref<!tpu.dma_semaphore, #tpu.memory_space<semaphore_mem>>
        %dma_start3A = arith.constant 0 : i32
        %dma_start3A_37 = arith.constant 0 : i32
        %dma_start3A_38 = tpu.memref_slice %arg9[%dma_start3A, %dma_start3A_37] : memref<10240x128xf32, #tpu.memory_space<vmem_shared>> -> memref<10240x128xf32, #tpu.memory_space<vmem_shared>>
        tpu.enqueue_indirect_dma source(%arg8 : memref<80x128xf32, #tpu.memory_space<vmem>>) target(%dma_start3A_38 : memref<10240x128xf32, #tpu.memory_space<vmem_shared>>) offsets(%arg7 : memref<80xi32, #tpu.memory_space<vmem>>) semaphore(%run_scoped3A : memref<!tpu.dma_semaphore, #tpu.memory_space<semaphore_mem>>) {add = true}
        %dma_wait3A = arith.constant 0 : i32
        %dma_wait3A_39 = arith.constant 0 : i32
        %dma_wait3A_40 = tpu.memref_slice %arg9[%dma_wait3A, %dma_wait3A_39] : memref<10240x128xf32, #tpu.memory_space<vmem_shared>> -> memref<10240x128xf32, #tpu.memory_space<vmem_shared>>
        tpu.wait_indirect_dma semaphore(%run_scoped3A : memref<!tpu.dma_semaphore, #tpu.memory_space<semaphore_mem>>) src(%arg8 : memref<80x128xf32, #tpu.memory_space<vmem>>) dst(%dma_wait3A_40 : memref<10240x128xf32, #tpu.memory_space<vmem_shared>>)
        tpu.yield
      }) : () -> ()
    }
    %scan3A_17 = arith.constant 125 : i32
    %barrier3A_18 = arith.constant 0 : index
    tpu.barrier barrier_id(%barrier3A_18)
    %mul3A_19 = arith.constant 640 : i32
    %mul3A_20 = arith.muli %arg1, %mul3A_19 : i32
    %mul3A_21 = arith.constant 10240 : i32
    %mul3A_22 = arith.muli %arg0, %mul3A_21 : i32
    %mul3A_23 = arith.constant 640 : i32
    %mul3A_24 = arith.muli %arg1, %mul3A_23 : i32
    %add3A_25 = arith.addi %mul3A_22, %mul3A_24 : i32
    "tpu.region"() ({
      %run_scoped3A = tpu.sem_alloc : memref<!tpu.dma_semaphore, #tpu.memory_space<semaphore_mem>>
      %dma_start3A = arith.constant 0 : i32
      %dma_start3A_26 = tpu.memref_slice %arg5[%add3A_25, %dma_start3A] : memref<20480x128xf32, #tpu.memory_space<hbm>> -> memref<640x128xf32, #tpu.memory_space<hbm>>
      %dma_start3A_27 = arith.constant 0 : i32
      %dma_start3A_28 = tpu.memref_slice %arg9[%mul3A_20, %dma_start3A_27] : memref<10240x128xf32, #tpu.memory_space<vmem_shared>> -> memref<640x128xf32, #tpu.memory_space<vmem_shared>>
      tpu.enqueue_dma source(%dma_start3A_28 : memref<640x128xf32, #tpu.memory_space<vmem_shared>>) target(%dma_start3A_26 : memref<640x128xf32, #tpu.memory_space<hbm>>) target_semaphore(%run_scoped3A : memref<!tpu.dma_semaphore, #tpu.memory_space<semaphore_mem>>)
      %dma_wait3A = arith.constant 0 : i32
      %dma_wait3A_29 = tpu.memref_slice %arg5[%add3A_25, %dma_wait3A] : memref<20480x128xf32, #tpu.memory_space<hbm>> -> memref<640x128xf32, #tpu.memory_space<hbm>>
      %dma_wait3A_30 = arith.constant 0 : i32
      %dma_wait3A_31 = tpu.memref_slice %arg9[%mul3A_20, %dma_wait3A_30] : memref<10240x128xf32, #tpu.memory_space<vmem_shared>> -> memref<640x128xf32, #tpu.memory_space<vmem_shared>>
      tpu.wait_dma2 semaphore(%run_scoped3A : memref<!tpu.dma_semaphore, #tpu.memory_space<semaphore_mem>>) src(%dma_wait3A_31 : memref<640x128xf32, #tpu.memory_space<vmem_shared>>) dst(%dma_wait3A_29 : memref<640x128xf32, #tpu.memory_space<hbm>>)
      tpu.yield
    }) : () -> ()
    return
  }
}

#map = affine_map<(d0, d1) -> (0, 0)>
#map1 = affine_map<(d0, d1) -> (0)>
module attributes {stable_mosaic.version = 14 : i64} {
  func.func @k(%arg0: i32, %arg1: i32, %arg2: memref<10000x128xf32, #tpu.memory_space<hbm>>, %arg3: memref<320000xi32, #tpu.memory_space<hbm>>, %arg4: memref<320000xi32, #tpu.memory_space<hbm>>, %arg5: memref<20480x128xf32, #tpu.memory_space<hbm>>, %arg6: memref<80xi32, #tpu.memory_space<vmem>>, %arg7: memref<80xi32, #tpu.memory_space<vmem>>, %arg8: memref<80x128xf32, #tpu.memory_space<vmem>>, %arg9: memref<10240x128xf32, #tpu.memory_space<vmem_shared>>) attributes {dimension_semantics = [#tpu.dimension_semantics<core_parallel>, #tpu.dimension_semantics<subcore_parallel>], iteration_bounds = array<i64: 2, 16>, scalar_prefetch = 0 : i64, scratch_operands = 4 : i64, tpu.core_type = #tpu.core_type<sc_vector_subcore>, window_params = [{transform_indices = #map}, {transform_indices = #map1}, {transform_indices = #map1}, {transform_indices = #map}]} {
    %mul3A = arith.constant 16 : i32
    %mul3A_0 = arith.muli %arg0, %mul3A : i32
    %add3A = arith.addi %mul3A_0, %arg1 : i32
    %broadcast_in_dim3A = arith.constant 0.000000e+00 : f32
    %broadcast_in_dim3A_1 = vector.broadcast %broadcast_in_dim3A : f32 to vector<16xf32>
    %scan3A = arith.constant 0 : i32
    %scan3A_2 = arith.constant 80 : i32
    %scan3A_3 = arith.addi %scan3A, %scan3A_2 : i32
    %scan3A_4 = arith.constant 1 : i32
    scf.for %scan3A_26 = %scan3A to %scan3A_3 step %scan3A_4  : i32 {
      %mul3A_27 = arith.constant 1 : i32
      %mul3A_28 = arith.muli %scan3A_26, %mul3A_27 : i32
      %add3A_29 = arith.constant 0 : i32
      %add3A_30 = arith.addi %add3A_29, %mul3A_28 : i32
      %scan3A_31 = arith.constant 0 : i32
      %scan3A_32 = arith.constant 8 : i32
      %scan3A_33 = arith.addi %scan3A_31, %scan3A_32 : i32
      %scan3A_34 = arith.constant 1 : i32
      scf.for %scan3A_36 = %scan3A_31 to %scan3A_33 step %scan3A_34  : i32 {
        %mul3A_37 = arith.constant 1 : i32
        %mul3A_38 = arith.muli %scan3A_36, %mul3A_37 : i32
        %add3A_39 = arith.constant 0 : i32
        %add3A_40 = arith.addi %add3A_39, %mul3A_38 : i32
        %mul3A_41 = arith.constant 16 : i32
        %mul3A_42 = arith.muli %add3A_40, %mul3A_41 : i32
        %swap3A = arith.index_cast %add3A_30 : i32 to index
        %swap3A_43 = arith.index_cast %mul3A_42 : i32 to index
        %swap3A_44 = tpu.vector_load %arg8[%swap3A, %swap3A_43] {strides = array<i32>} : memref<80x128xf32, #tpu.memory_space<vmem>>, vector<1x16xf32>,
        %swap3A_45 = vector.shape_cast %swap3A_44 : vector<1x16xf32> to vector<16xf32>
        %swap3A_46 = vector.shape_cast %broadcast_in_dim3A_1 : vector<16xf32> to vector<1x16xf32>
        tpu.vector_store %arg8[%swap3A, %swap3A_43], %swap3A_46 {strides = array<i32>} : memref<80x128xf32, #tpu.memory_space<vmem>>, vector<1x16xf32>,
      }
      %scan3A_35 = arith.constant 8 : i32
    }
    %scan3A_5 = arith.constant 80 : i32
    %scan3A_6 = arith.constant 0 : i32
    %scan3A_7 = arith.constant 8 : i32
    %scan3A_8 = arith.addi %scan3A_6, %scan3A_7 : i32
    %scan3A_9 = arith.constant 1 : i32
    scf.for %scan3A_26 = %scan3A_6 to %scan3A_8 step %scan3A_9  : i32 {
      %mul3A_27 = arith.constant 1 : i32
      %mul3A_28 = arith.muli %scan3A_26, %mul3A_27 : i32
      %add3A_29 = arith.constant 0 : i32
      %add3A_30 = arith.addi %add3A_29, %mul3A_28 : i32
      %mul3A_31 = arith.constant 640 : i32
      %mul3A_32 = arith.muli %arg1, %mul3A_31 : i32
      %mul3A_33 = arith.constant 80 : i32
      %mul3A_34 = arith.muli %add3A_30, %mul3A_33 : i32
      %add3A_35 = arith.addi %mul3A_32, %mul3A_34 : i32
      "tpu.region"() ({
        %run_scoped3A = tpu.sem_alloc : memref<!tpu.dma_semaphore, #tpu.memory_space<semaphore_mem>>
        %dma_start3A = arith.constant 0 : i32
        %dma_start3A_36 = tpu.memref_slice %arg9[%add3A_35, %dma_start3A] : memref<10240x128xf32, #tpu.memory_space<vmem_shared>> -> memref<80x128xf32, #tpu.memory_space<vmem_shared>>
        %dma_start3A_37 = arith.constant 0 : i32
        %dma_start3A_38 = tpu.memref_slice %arg9[%add3A_35, %dma_start3A_37] : memref<10240x128xf32, #tpu.memory_space<vmem_shared>> -> memref<80x128xf32, #tpu.memory_space<vmem_shared>>
        tpu.enqueue_dma source(%arg8 : memref<80x128xf32, #tpu.memory_space<vmem>>) target(%dma_start3A_38 : memref<80x128xf32, #tpu.memory_space<vmem_shared>>) target_semaphore(%run_scoped3A : memref<!tpu.dma_semaphore, #tpu.memory_space<semaphore_mem>>)
        %dma_wait3A = arith.constant 0 : i32
        %dma_wait3A_39 = tpu.memref_slice %arg9[%add3A_35, %dma_wait3A] : memref<10240x128xf32, #tpu.memory_space<vmem_shared>> -> memref<80x128xf32, #tpu.memory_space<vmem_shared>>
        %dma_wait3A_40 = arith.constant 0 : i32
        %dma_wait3A_41 = tpu.memref_slice %arg9[%add3A_35, %dma_wait3A_40] : memref<10240x128xf32, #tpu.memory_space<vmem_shared>> -> memref<80x128xf32, #tpu.memory_space<vmem_shared>>
        tpu.wait_dma2 semaphore(%run_scoped3A : memref<!tpu.dma_semaphore, #tpu.memory_space<semaphore_mem>>) src(%arg8 : memref<80x128xf32, #tpu.memory_space<vmem>>) dst(%dma_wait3A_41 : memref<80x128xf32, #tpu.memory_space<vmem_shared>>)
        tpu.yield
      }) : () -> ()
    }
    %scan3A_10 = arith.constant 8 : i32
    %barrier3A = arith.constant 0 : index
    tpu.barrier barrier_id(%barrier3A)
    %mul3A_11 = arith.constant 10000 : i32
    %mul3A_12 = arith.muli %add3A, %mul3A_11 : i32
    %scan3A_13 = arith.constant 0 : i32
    %scan3A_14 = arith.constant 125 : i32
    %scan3A_15 = arith.addi %scan3A_13, %scan3A_14 : i32
    %scan3A_16 = arith.constant 1 : i32
    scf.for %scan3A_26 = %scan3A_13 to %scan3A_15 step %scan3A_16  : i32 {
      %mul3A_27 = arith.constant 1 : i32
      %mul3A_28 = arith.muli %scan3A_26, %mul3A_27 : i32
      %add3A_29 = arith.constant 0 : i32
      %add3A_30 = arith.addi %add3A_29, %mul3A_28 : i32
      %mul3A_31 = arith.constant 80 : i32
      %mul3A_32 = arith.muli %add3A_30, %mul3A_31 : i32
      %add3A_33 = arith.addi %mul3A_12, %mul3A_32 : i32
      "tpu.region"() ({
        %run_scoped3A = tpu.sem_alloc : memref<!tpu.dma_semaphore, #tpu.memory_space<semaphore_mem>>
        %dma_start3A = tpu.memref_slice %arg3[%add3A_33] : memref<320000xi32, #tpu.memory_space<hbm>> -> memref<80xi32, #tpu.memory_space<hbm>>
        %dma_start3A_37 = tpu.memref_slice %arg3[%add3A_33] : memref<320000xi32, #tpu.memory_space<hbm>> -> memref<80xi32, #tpu.memory_space<hbm>>
        tpu.enqueue_dma source(%dma_start3A_37 : memref<80xi32, #tpu.memory_space<hbm>>) target(%arg6 : memref<80xi32, #tpu.memory_space<vmem>>) target_semaphore(%run_scoped3A : memref<!tpu.dma_semaphore, #tpu.memory_space<semaphore_mem>>)
        %dma_wait3A = tpu.memref_slice %arg3[%add3A_33] : memref<320000xi32, #tpu.memory_space<hbm>> -> memref<80xi32, #tpu.memory_space<hbm>>
        %dma_wait3A_38 = tpu.memref_slice %arg3[%add3A_33] : memref<320000xi32, #tpu.memory_space<hbm>> -> memref<80xi32, #tpu.memory_space<hbm>>
        tpu.wait_dma2 semaphore(%run_scoped3A : memref<!tpu.dma_semaphore, #tpu.memory_space<semaphore_mem>>) src(%dma_wait3A_38 : memref<80xi32, #tpu.memory_space<hbm>>) dst(%arg6 : memref<80xi32, #tpu.memory_space<vmem>>)
        tpu.yield
      }) : () -> ()
      %mul3A_34 = arith.constant 80 : i32
      %mul3A_35 = arith.muli %add3A_30, %mul3A_34 : i32
      %add3A_36 = arith.addi %mul3A_12, %mul3A_35 : i32
      "tpu.region"() ({
        %run_scoped3A = tpu.sem_alloc : memref<!tpu.dma_semaphore, #tpu.memory_space<semaphore_mem>>
        %dma_start3A = tpu.memref_slice %arg4[%add3A_36] : memref<320000xi32, #tpu.memory_space<hbm>> -> memref<80xi32, #tpu.memory_space<hbm>>
        %dma_start3A_37 = tpu.memref_slice %arg4[%add3A_36] : memref<320000xi32, #tpu.memory_space<hbm>> -> memref<80xi32, #tpu.memory_space<hbm>>
        tpu.enqueue_dma source(%dma_start3A_37 : memref<80xi32, #tpu.memory_space<hbm>>) target(%arg7 : memref<80xi32, #tpu.memory_space<vmem>>) target_semaphore(%run_scoped3A : memref<!tpu.dma_semaphore, #tpu.memory_space<semaphore_mem>>)
        %dma_wait3A = tpu.memref_slice %arg4[%add3A_36] : memref<320000xi32, #tpu.memory_space<hbm>> -> memref<80xi32, #tpu.memory_space<hbm>>
        %dma_wait3A_38 = tpu.memref_slice %arg4[%add3A_36] : memref<320000xi32, #tpu.memory_space<hbm>> -> memref<80xi32, #tpu.memory_space<hbm>>
        tpu.wait_dma2 semaphore(%run_scoped3A : memref<!tpu.dma_semaphore, #tpu.memory_space<semaphore_mem>>) src(%dma_wait3A_38 : memref<80xi32, #tpu.memory_space<hbm>>) dst(%arg7 : memref<80xi32, #tpu.memory_space<vmem>>)
        tpu.yield
      }) : () -> ()
      "tpu.region"() ({
        %run_scoped3A = tpu.sem_alloc : memref<!tpu.dma_semaphore, #tpu.memory_space<semaphore_mem>>
        %dma_start3A = arith.constant 0 : i32
        %dma_start3A_37 = arith.constant 0 : i32
        %dma_start3A_38 = tpu.memref_slice %arg2[%dma_start3A, %dma_start3A_37] : memref<10000x128xf32, #tpu.memory_space<hbm>> -> memref<10000x128xf32, #tpu.memory_space<hbm>>
        tpu.enqueue_indirect_dma source(%dma_start3A_38 : memref<10000x128xf32, #tpu.memory_space<hbm>>) target(%arg8 : memref<80x128xf32, #tpu.memory_space<vmem>>) offsets(%arg6 : memref<80xi32, #tpu.memory_space<vmem>>) semaphore(%run_scoped3A : memref<!tpu.dma_semaphore, #tpu.memory_space<semaphore_mem>>)
        %dma_wait3A = arith.constant 0 : i32
        %dma_wait3A_39 = arith.constant 0 : i32
        %dma_wait3A_40 = tpu.memref_slice %arg2[%dma_wait3A, %dma_wait3A_39] : memref<10000x128xf32, #tpu.memory_space<hbm>> -> memref<10000x128xf32, #tpu.memory_space<hbm>>
        tpu.wait_indirect_dma semaphore(%run_scoped3A : memref<!tpu.dma_semaphore, #tpu.memory_space<semaphore_mem>>) src(%dma_wait3A_40 : memref<10000x128xf32, #tpu.memory_space<hbm>>) dst(%arg8 : memref<80x128xf32, #tpu.memory_space<vmem>>)
        tpu.yield
      }) : () -> ()
      "tpu.region"() ({
        %run_scoped3A = tpu.sem_alloc : memref<!tpu.dma_semaphore, #tpu.memory_space<semaphore_mem>>
        %dma_start3A = arith.constant 0 : i32
        %dma_start3A_37 = arith.constant 0 : i32
        %dma_start3A_38 = tpu.memref_slice %arg9[%dma_start3A, %dma_start3A_37] : memref<10240x128xf32, #tpu.memory_space<vmem_shared>> -> memref<10240x128xf32, #tpu.memory_space<vmem_shared>>
        tpu.enqueue_indirect_dma source(%arg8 : memref<80x128xf32, #tpu.memory_space<vmem>>) target(%dma_start3A_38 : memref<10240x128xf32, #tpu.memory_space<vmem_shared>>) offsets(%arg7 : memref<80xi32, #tpu.memory_space<vmem>>) semaphore(%run_scoped3A : memref<!tpu.dma_semaphore, #tpu.memory_space<semaphore_mem>>) {add = true}
        %dma_wait3A = arith.constant 0 : i32
        %dma_wait3A_39 = arith.constant 0 : i32
        %dma_wait3A_40 = tpu.memref_slice %arg9[%dma_wait3A, %dma_wait3A_39] : memref<10240x128xf32, #tpu.memory_space<vmem_shared>> -> memref<10240x128xf32, #tpu.memory_space<vmem_shared>>
        tpu.wait_indirect_dma semaphore(%run_scoped3A : memref<!tpu.dma_semaphore, #tpu.memory_space<semaphore_mem>>) src(%arg8 : memref<80x128xf32, #tpu.memory_space<vmem>>) dst(%dma_wait3A_40 : memref<10240x128xf32, #tpu.memory_space<vmem_shared>>)
        tpu.yield
      }) : () -> ()
    }
    %scan3A_17 = arith.constant 125 : i32
    %barrier3A_18 = arith.constant 0 : index
    tpu.barrier barrier_id(%barrier3A_18)
    %mul3A_19 = arith.constant 640 : i32
    %mul3A_20 = arith.muli %arg1, %mul3A_19 : i32
    %mul3A_21 = arith.constant 10240 : i32
    %mul3A_22 = arith.muli %arg0, %mul3A_21 : i32
    %mul3A_23 = arith.constant 640 : i32
    %mul3A_24 = arith.muli %arg1, %mul3A_23 : i32
    %add3A_25 = arith.addi %mul3A_22, %mul3A_24 : i32
    "tpu.region"() ({
      %run_scoped3A = tpu.sem_alloc : memref<!tpu.dma_semaphore, #tpu.memory_space<semaphore_mem>>
      %dma_start3A = arith.constant 0 : i32
      %dma_start3A_26 = tpu.memref_slice %arg5[%add3A_25, %dma_start3A] : memref<20480x128xf32, #tpu.memory_space<hbm>> -> memref<640x128xf32, #tpu.memory_space<hbm>>
      %dma_start3A_27 = arith.constant 0 : i32
      %dma_start3A_28 = tpu.memref_slice %arg9[%mul3A_20, %dma_start3A_27] : memref<10240x128xf32, #tpu.memory_space<vmem_shared>> -> memref<640x128xf32, #tpu.memory_space<vmem_shared>>
      tpu.enqueue_dma source(%dma_start3A_28 : memref<640x128xf32, #tpu.memory_space<vmem_shared>>) target(%dma_start3A_26 : memref<640x128xf32, #tpu.memory_space<hbm>>) target_semaphore(%run_scoped3A : memref<!tpu.dma_semaphore, #tpu.memory_space<semaphore_mem>>)
      %dma_wait3A = arith.constant 0 : i32
      %dma_wait3A_29 = tpu.memref_slice %arg5[%add3A_25, %dma_wait3A] : memref<20480x128xf32, #tpu.memory_space<hbm>> -> memref<640x128xf32, #tpu.memory_space<hbm>>
      %dma_wait3A_30 = arith.constant 0 : i32
      %dma_wait3A_31 = tpu.memref_slice %arg9[%mul3A_20, %dma_wait3A_30] : memref<10240x128xf32, #tpu.memory_space<vmem_shared>> -> memref<640x128xf32, #tpu.memory_space<vmem_shared>>
      tpu.wait_dma2 semaphore(%run_scoped3A : memref<!tpu.dma_semaphore, #tpu.memory_space<semaphore_mem>>) src(%dma_wait3A_31 : memref<640x128xf32, #tpu.memory_space<vmem_shared>>) dst(%dma_wait3A_29 : memref<640x128xf32, #tpu.memory_space<hbm>>)
      tpu.yield
    }) : () -> ()
    return
  }
}

module attributes {stable_mosaic.version = 14 : i64} {
  func.func @body(%arg0: i32, %arg1: memref<1000x128xf32, #tpu.memory_space<vmem>>, %arg2: memref<2x1000x16xf32, #tpu.memory_space<vmem>>, %arg3: memref<128x128xf32, #tpu.memory_space<vmem>>, %arg4: memref<1000x128xf32, #tpu.memory_space<vmem>>, %arg5: memref<1000x128xf32, #tpu.memory_space<vmem>>, %arg6: memref<1000x1xf32, #tpu.memory_space<vmem>>) attributes {dimension_semantics = [#tpu.dimension_semantics<arbitrary>], iteration_bounds = array<i64: 10>, scalar_prefetch = 0 : i64, scratch_operands = 0 : i64, tpu.core_type = #tpu.core_type<tc>, window_params = [{transform_indices = @transform_0, window_bounds = array<i64: 1000, 128>}, {transform_indices = @transform_1, window_bounds = array<i64: 2, 1000, 16>}, {pipeline_mode = #tpu.pipeline_mode<synchronous>, transform_indices = @transform_2, window_bounds = array<i64: 128, 128>}, {transform_indices = @transform_3, window_bounds = array<i64: 1000, 128>}, {transform_indices = @transform_4, window_bounds = array<i64: 1000, 128>}, {transform_indices = @transform_5, window_bounds = array<i64: 1000, 1>}]} {
    %get3A = arith.constant 0 : index
    %get3A_0 = arith.constant 0 : index
    %get3A_1 = arith.constant 0 : index
    %get3A_2 = vector.load %arg2[%get3A, %get3A_0, %get3A_1] : memref<2x1000x16xf32, #tpu.memory_space<vmem>>, vector<1x1000x1xf32>
    %get3A_3 = vector.shape_cast %get3A_2 : vector<1x1000x1xf32> to vector<1000x1xf32>
    %get3A_4 = arith.constant 1 : index
    %get3A_5 = arith.constant 0 : index
    %get3A_6 = arith.constant 0 : index
    %get3A_7 = vector.load %arg2[%get3A_4, %get3A_5, %get3A_6] : memref<2x1000x16xf32, #tpu.memory_space<vmem>>, vector<1x1000x1xf32>
    %get3A_8 = vector.shape_cast %get3A_7 : vector<1x1000x1xf32> to vector<1000x1xf32>
    %add3A = arith.addf %get3A_3, %get3A_8 : vector<1000x1xf32>
    %add3A_9 = arith.constant 1.000000e+00 : f32
    %add3A_10 = vector.broadcast %add3A_9 : f32 to vector<1000x1xf32>
    %add3A_11 = arith.addf %add3A, %add3A_10 : vector<1000x1xf32>
    %rsqrt3A = math.rsqrt %add3A_11 : vector<1000x1xf32>
    %get3A_12 = arith.constant 0 : index
    %get3A_13 = arith.constant 0 : index
    %get3A_14 = vector.load %arg1[%get3A_12, %get3A_13] : memref<1000x128xf32, #tpu.memory_space<vmem>>, vector<1000x128xf32>
    %get3A_15 = arith.constant 0 : index
    %get3A_16 = arith.constant 0 : index
    %get3A_17 = vector.load %arg3[%get3A_15, %get3A_16] : memref<128x128xf32, #tpu.memory_space<vmem>>, vector<128x128xf32>
    %dot_general3A = arith.constant dense<0.000000e+00> : vector<1000x128xf32>
    %dot_general3A_18 = tpu.matmul %get3A_14, %get3A_17, %dot_general3A {dimension_numbers = #tpu.dot_dimension_numbers<[1], [0], [0], [1], [0, 0, 1, 1], [], []>, transpose_lhs_hint = false} : vector<1000x128xf32>, vector<128x128xf32>, vector<1000x128xf32> -> vector<1000x128xf32>
    %swap3A = arith.constant 0 : index
    %swap3A_19 = arith.constant 0 : index
    %swap3A_20 = vector.load %arg4[%swap3A, %swap3A_19] : memref<1000x128xf32, #tpu.memory_space<vmem>>, vector<1000x128xf32>
    tpu.vector_store %arg4[%swap3A, %swap3A_19], %dot_general3A_18 {strides = array<i32>} : memref<1000x128xf32, #tpu.memory_space<vmem>>, vector<1000x128xf32>,
    %mul3A = vector.broadcast %rsqrt3A : vector<1000x1xf32> to vector<1000x128xf32>
    %mul3A_21 = arith.mulf %dot_general3A_18, %mul3A : vector<1000x128xf32>
    %swap3A_22 = arith.constant 0 : index
    %swap3A_23 = arith.constant 0 : index
    %swap3A_24 = vector.load %arg5[%swap3A_22, %swap3A_23] : memref<1000x128xf32, #tpu.memory_space<vmem>>, vector<1000x128xf32>
    tpu.vector_store %arg5[%swap3A_22, %swap3A_23], %mul3A_21 {strides = array<i32>} : memref<1000x128xf32, #tpu.memory_space<vmem>>, vector<1000x128xf32>,
    %swap3A_25 = arith.constant 0 : index
    %swap3A_26 = arith.constant 0 : index
    %swap3A_27 = vector.load %arg6[%swap3A_25, %swap3A_26] : memref<1000x1xf32, #tpu.memory_space<vmem>>, vector<1000x1xf32>
    tpu.vector_store %arg6[%swap3A_25, %swap3A_26], %rsqrt3A {strides = array<i32>} : memref<1000x1xf32, #tpu.memory_space<vmem>>, vector<1000x1xf32>,
    return
  }
  func.func @transform_0(%arg0: i32) -> (i32, i32) {
    %c0_i32 = arith.constant 0 : i32
    %c0_i32_0 = arith.constant 0 : i32
    return %arg0, %c0_i32 : i32, i32
  }
  func.func @transform_1(%arg0: i32) -> (i32, i32, i32) {
    %c0_i32 = arith.constant 0 : i32
    %c0_i32_0 = arith.constant 0 : i32
    %c0_i32_1 = arith.constant 0 : i32
    return %c0_i32, %arg0, %c0_i32_0 : i32, i32, i32
  }
  func.func @transform_2(%arg0: i32) -> (i32, i32) {
    %c0_i32 = arith.constant 0 : i32
    %c0_i32_0 = arith.constant 0 : i32
    %c0_i32_1 = arith.constant 0 : i32
    return %c0_i32, %c0_i32_0 : i32, i32
  }
  func.func @transform_3(%arg0: i32) -> (i32, i32) {
    %c0_i32 = arith.constant 0 : i32
    %c0_i32_0 = arith.constant 0 : i32
    return %arg0, %c0_i32 : i32, i32
  }
  func.func @transform_4(%arg0: i32) -> (i32, i32) {
    %c0_i32 = arith.constant 0 : i32
    %c0_i32_0 = arith.constant 0 : i32
    return %arg0, %c0_i32 : i32, i32
  }
  func.func @transform_5(%arg0: i32) -> (i32, i32) {
    %c0_i32 = arith.constant 0 : i32
    %c0_i32_0 = arith.constant 0 : i32
    return %arg0, %c0_i32 : i32, i32
  }
}

module attributes {stable_mosaic.version = 14 : i64} {
  func.func @body(%arg0: i32, %arg1: memref<2x1000x128xf32, #tpu.memory_space<vmem>>, %arg2: memref<1000x128xf32, #tpu.memory_space<vmem>>, %arg3: memref<1000x128xf32, #tpu.memory_space<vmem>>, %arg4: memref<1000x1xf32, #tpu.memory_space<vmem>>, %arg5: memref<1x128xf32, #tpu.memory_space<vmem>>, %arg6: memref<1x128xf32, #tpu.memory_space<vmem>>, %arg7: memref<1x128xf32, #tpu.memory_space<vmem>>, %arg8: memref<128x128xf32, #tpu.memory_space<vmem>>, %arg9: memref<1000x128xf32, #tpu.memory_space<vmem>>, %arg10: memref<1000x128xf32, #tpu.memory_space<vmem>>, %arg11: memref<1000x128xf32, #tpu.memory_space<vmem>>) attributes {dimension_semantics = [#tpu.dimension_semantics<arbitrary>], iteration_bounds = array<i64: 10>, scalar_prefetch = 0 : i64, scratch_operands = 0 : i64, tpu.core_type = #tpu.core_type<tc>, window_params = [{transform_indices = @transform_0, window_bounds = array<i64: 2, 1000, 128>}, {transform_indices = @transform_1, window_bounds = array<i64: 1000, 128>}, {transform_indices = @transform_2, window_bounds = array<i64: 1000, 128>}, {transform_indices = @transform_3, window_bounds = array<i64: 1000, 1>}, {pipeline_mode = #tpu.pipeline_mode<synchronous>, transform_indices = @transform_4, window_bounds = array<i64: 1, 128>}, {pipeline_mode = #tpu.pipeline_mode<synchronous>, transform_indices = @transform_5, window_bounds = array<i64: 1, 128>}, {pipeline_mode = #tpu.pipeline_mode<synchronous>, transform_indices = @transform_6, window_bounds = array<i64: 1, 128>}, {pipeline_mode = #tpu.pipeline_mode<synchronous>, transform_indices = @transform_7, window_bounds = array<i64: 128, 128>}, {transform_indices = @transform_8, window_bounds = array<i64: 1000, 128>}, {transform_indices = @transform_9, window_bounds = array<i64: 1000, 128>}, {transform_indices = @transform_10, window_bounds = array<i64: 1000, 128>}]} {
    %get3A = arith.constant 0 : index
    %get3A_0 = arith.constant 0 : index
    %get3A_1 = vector.load %arg4[%get3A, %get3A_0] : memref<1000x1xf32, #tpu.memory_space<vmem>>, vector<1000x1xf32>
    %get3A_2 = arith.constant 0 : index
    %get3A_3 = arith.constant 0 : index
    %get3A_4 = vector.load %arg2[%get3A_2, %get3A_3] : memref<1000x128xf32, #tpu.memory_space<vmem>>, vector<1000x128xf32>
    %get3A_5 = arith.constant 0 : index
    %get3A_6 = arith.constant 0 : index
    %get3A_7 = arith.constant 0 : index
    %get3A_8 = vector.load %arg1[%get3A_5, %get3A_6, %get3A_7] : memref<2x1000x128xf32, #tpu.memory_space<vmem>>, vector<1x1000x128xf32>
    %get3A_9 = vector.shape_cast %get3A_8 : vector<1x1000x128xf32> to vector<1000x128xf32>
    %get3A_10 = arith.constant 1 : index
    %get3A_11 = arith.constant 0 : index
    %get3A_12 = arith.constant 0 : index
    %get3A_13 = vector.load %arg1[%get3A_10, %get3A_11, %get3A_12] : memref<2x1000x128xf32, #tpu.memory_space<vmem>>, vector<1x1000x128xf32>
    %get3A_14 = vector.shape_cast %get3A_13 : vector<1x1000x128xf32> to vector<1000x128xf32>
    %add3A = arith.addf %get3A_9, %get3A_14 : vector<1000x128xf32>
    %mul3A = vector.broadcast %get3A_1 : vector<1000x1xf32> to vector<1000x128xf32>
    %mul3A_15 = arith.mulf %mul3A, %add3A : vector<1000x128xf32>
    %mul3A_16 = arith.mulf %get3A_1, %get3A_1 : vector<1000x1xf32>
    %mul3A_17 = vector.broadcast %mul3A_16 : vector<1000x1xf32> to vector<1000x128xf32>
    %mul3A_18 = arith.mulf %mul3A_17, %get3A_4 : vector<1000x128xf32>
    %add3A_19 = arith.addf %mul3A_15, %mul3A_18 : vector<1000x128xf32>
    %get3A_20 = arith.constant 0 : index
    %get3A_21 = arith.constant 0 : index
    %get3A_22 = vector.load %arg5[%get3A_20, %get3A_21] : memref<1x128xf32, #tpu.memory_space<vmem>>, vector<1x128xf32>
    %add3A_23 = vector.broadcast %get3A_22 : vector<1x128xf32> to vector<1000x128xf32>
    %add3A_24 = arith.addf %add3A_19, %add3A_23 : vector<1000x128xf32>
    %reduce_sum3A = arith.constant dense<0.000000e+00> : vector<1000xf32>
    %reduce_sum3A_25 = vector.multi_reduction <add>, %add3A_24, %reduce_sum3A [1] : vector<1000x128xf32> to vector<1000xf32>
    %broadcast_in_dim3A = vector.shape_cast %reduce_sum3A_25 : vector<1000xf32> to vector<1000x1xf32>
    %div3A = arith.constant 1.280000e+02 : f32
    %div3A_26 = vector.broadcast %div3A : f32 to vector<1000x1xf32>
    %div3A_27 = arith.divf %broadcast_in_dim3A, %div3A_26 : vector<1000x1xf32>
    %sub3A = vector.broadcast %div3A_27 : vector<1000x1xf32> to vector<1000x128xf32>
    %sub3A_28 = arith.subf %add3A_24, %sub3A : vector<1000x128xf32>
    %integer_pow3A = arith.mulf %sub3A_28, %sub3A_28 : vector<1000x128xf32>
    %reduce_sum3A_29 = arith.constant dense<0.000000e+00> : vector<1000xf32>
    %reduce_sum3A_30 = vector.multi_reduction <add>, %integer_pow3A, %reduce_sum3A_29 [1] : vector<1000x128xf32> to vector<1000xf32>
    %broadcast_in_dim3A_31 = vector.shape_cast %reduce_sum3A_30 : vector<1000xf32> to vector<1000x1xf32>
    %div3A_32 = arith.constant 1.280000e+02 : f32
    %div3A_33 = vector.broadcast %div3A_32 : f32 to vector<1000x1xf32>
    %div3A_34 = arith.divf %broadcast_in_dim3A_31, %div3A_33 : vector<1000x1xf32>
    %sub3A_35 = vector.broadcast %div3A_27 : vector<1000x1xf32> to vector<1000x128xf32>
    %sub3A_36 = arith.subf %add3A_24, %sub3A_35 : vector<1000x128xf32>
    %add3A_37 = arith.constant 9.99999974E-6 : f32
    %add3A_38 = vector.broadcast %add3A_37 : f32 to vector<1000x1xf32>
    %add3A_39 = arith.addf %div3A_34, %add3A_38 : vector<1000x1xf32>
    %rsqrt3A = math.rsqrt %add3A_39 : vector<1000x1xf32>
    %mul3A_40 = vector.broadcast %rsqrt3A : vector<1000x1xf32> to vector<1000x128xf32>
    %mul3A_41 = arith.mulf %sub3A_36, %mul3A_40 : vector<1000x128xf32>
    %get3A_42 = arith.constant 0 : index
    %get3A_43 = arith.constant 0 : index
    %get3A_44 = vector.load %arg6[%get3A_42, %get3A_43] : memref<1x128xf32, #tpu.memory_space<vmem>>, vector<1x128xf32>
    %mul3A_45 = vector.broadcast %get3A_44 : vector<1x128xf32> to vector<1000x128xf32>
    %mul3A_46 = arith.mulf %mul3A_41, %mul3A_45 : vector<1000x128xf32>
    %get3A_47 = arith.constant 0 : index
    %get3A_48 = arith.constant 0 : index
    %get3A_49 = vector.load %arg7[%get3A_47, %get3A_48] : memref<1x128xf32, #tpu.memory_space<vmem>>, vector<1x128xf32>
    %add3A_50 = vector.broadcast %get3A_49 : vector<1x128xf32> to vector<1000x128xf32>
    %add3A_51 = arith.addf %mul3A_46, %add3A_50 : vector<1000x128xf32>
    %max3A = arith.constant 0.000000e+00 : f32
    %max3A_52 = vector.broadcast %max3A : f32 to vector<1000x128xf32>
    %max3A_53 = arith.maximumf %add3A_51, %max3A_52 : vector<1000x128xf32>
    %get3A_54 = arith.constant 0 : index
    %get3A_55 = arith.constant 0 : index
    %get3A_56 = vector.load %arg3[%get3A_54, %get3A_55] : memref<1000x128xf32, #tpu.memory_space<vmem>>, vector<1000x128xf32>
    %add3A_57 = arith.addf %max3A_53, %get3A_56 : vector<1000x128xf32>
    %swap3A = arith.constant 0 : index
    %swap3A_58 = arith.constant 0 : index
    %swap3A_59 = vector.load %arg9[%swap3A, %swap3A_58] : memref<1000x128xf32, #tpu.memory_space<vmem>>, vector<1000x128xf32>
    tpu.vector_store %arg9[%swap3A, %swap3A_58], %add3A_57 {strides = array<i32>} : memref<1000x128xf32, #tpu.memory_space<vmem>>, vector<1000x128xf32>,
    %get3A_60 = arith.constant 0 : index
    %get3A_61 = arith.constant 0 : index
    %get3A_62 = vector.load %arg8[%get3A_60, %get3A_61] : memref<128x128xf32, #tpu.memory_space<vmem>>, vector<128x128xf32>
    %dot_general3A = arith.constant dense<0.000000e+00> : vector<1000x128xf32>
    %dot_general3A_63 = tpu.matmul %add3A_57, %get3A_62, %dot_general3A {dimension_numbers = #tpu.dot_dimension_numbers<[1], [0], [0], [1], [0, 0, 1, 1], [], []>, transpose_lhs_hint = false} : vector<1000x128xf32>, vector<128x128xf32>, vector<1000x128xf32> -> vector<1000x128xf32>
    %swap3A_64 = arith.constant 0 : index
    %swap3A_65 = arith.constant 0 : index
    %swap3A_66 = vector.load %arg10[%swap3A_64, %swap3A_65] : memref<1000x128xf32, #tpu.memory_space<vmem>>, vector<1000x128xf32>
    tpu.vector_store %arg10[%swap3A_64, %swap3A_65], %dot_general3A_63 {strides = array<i32>} : memref<1000x128xf32, #tpu.memory_space<vmem>>, vector<1000x128xf32>,
    %mul3A_67 = vector.broadcast %get3A_1 : vector<1000x1xf32> to vector<1000x128xf32>
    %mul3A_68 = arith.mulf %dot_general3A_63, %mul3A_67 : vector<1000x128xf32>
    %swap3A_69 = arith.constant 0 : index
    %swap3A_70 = arith.constant 0 : index
    %swap3A_71 = vector.load %arg11[%swap3A_69, %swap3A_70] : memref<1000x128xf32, #tpu.memory_space<vmem>>, vector<1000x128xf32>
    tpu.vector_store %arg11[%swap3A_69, %swap3A_70], %mul3A_68 {strides = array<i32>} : memref<1000x128xf32, #tpu.memory_space<vmem>>, vector<1000x128xf32>,
    return
  }
  func.func @transform_0(%arg0: i32) -> (i32, i32, i32) {
    %c0_i32 = arith.constant 0 : i32
    %c0_i32_0 = arith.constant 0 : i32
    %c0_i32_1 = arith.constant 0 : i32
    return %c0_i32, %arg0, %c0_i32_0 : i32, i32, i32
  }
  func.func @transform_1(%arg0: i32) -> (i32, i32) {
    %c0_i32 = arith.constant 0 : i32
    %c0_i32_0 = arith.constant 0 : i32
    return %arg0, %c0_i32 : i32, i32
  }
  func.func @transform_2(%arg0: i32) -> (i32, i32) {
    %c0_i32 = arith.constant 0 : i32
    %c0_i32_0 = arith.constant 0 : i32
    return %arg0, %c0_i32 : i32, i32
  }
  func.func @transform_3(%arg0: i32) -> (i32, i32) {
    %c0_i32 = arith.constant 0 : i32
    %c0_i32_0 = arith.constant 0 : i32
    return %arg0, %c0_i32 : i32, i32
  }
  func.func @transform_4(%arg0: i32) -> (i32, i32) {
    %c0_i32 = arith.constant 0 : i32
    %c0_i32_0 = arith.constant 0 : i32
    %c0_i32_1 = arith.constant 0 : i32
    return %c0_i32, %c0_i32_0 : i32, i32
  }
  func.func @transform_5(%arg0: i32) -> (i32, i32) {
    %c0_i32 = arith.constant 0 : i32
    %c0_i32_0 = arith.constant 0 : i32
    %c0_i32_1 = arith.constant 0 : i32
    return %c0_i32, %c0_i32_0 : i32, i32
  }
  func.func @transform_6(%arg0: i32) -> (i32, i32) {
    %c0_i32 = arith.constant 0 : i32
    %c0_i32_0 = arith.constant 0 : i32
    %c0_i32_1 = arith.constant 0 : i32
    return %c0_i32, %c0_i32_0 : i32, i32
  }
  func.func @transform_7(%arg0: i32) -> (i32, i32) {
    %c0_i32 = arith.constant 0 : i32
    %c0_i32_0 = arith.constant 0 : i32
    %c0_i32_1 = arith.constant 0 : i32
    return %c0_i32, %c0_i32_0 : i32, i32
  }
  func.func @transform_8(%arg0: i32) -> (i32, i32) {
    %c0_i32 = arith.constant 0 : i32
    %c0_i32_0 = arith.constant 0 : i32
    return %arg0, %c0_i32 : i32, i32
  }
  func.func @transform_9(%arg0: i32) -> (i32, i32) {
    %c0_i32 = arith.constant 0 : i32
    %c0_i32_0 = arith.constant 0 : i32
    return %arg0, %c0_i32 : i32, i32
  }
  func.func @transform_10(%arg0: i32) -> (i32, i32) {
    %c0_i32 = arith.constant 0 : i32
    %c0_i32_0 = arith.constant 0 : i32
    return %arg0, %c0_i32 : i32, i32
  }
}

module attributes {stable_mosaic.version = 14 : i64} {
  func.func @body(%arg0: i32, %arg1: memref<2x1000x128xf32, #tpu.memory_space<vmem>>, %arg2: memref<1000x128xf32, #tpu.memory_space<vmem>>, %arg3: memref<1000x128xf32, #tpu.memory_space<vmem>>, %arg4: memref<1000x1xf32, #tpu.memory_space<vmem>>, %arg5: memref<1x128xf32, #tpu.memory_space<vmem>>, %arg6: memref<1x128xf32, #tpu.memory_space<vmem>>, %arg7: memref<1x128xf32, #tpu.memory_space<vmem>>, %arg8: memref<1x1x1000xi32, #tpu.memory_space<vmem>>, %arg9: memref<128x128xf32, #tpu.memory_space<vmem>>, %arg10: memref<1x128xf32, #tpu.memory_space<vmem>>, %arg11: memref<64x128xf32, #tpu.memory_space<vmem>>, %arg12: memref<64x128xf32, #tpu.memory_space<vmem>>, %arg13: memref<64x1xf32, #tpu.memory_space<vmem>>) attributes {dimension_semantics = [#tpu.dimension_semantics<arbitrary>], iteration_bounds = array<i64: 10>, scalar_prefetch = 0 : i64, scratch_operands = 2 : i64, tpu.core_type = #tpu.core_type<tc>, window_params = [{transform_indices = @transform_0, window_bounds = array<i64: 2, 1000, 128>}, {transform_indices = @transform_1, window_bounds = array<i64: 1000, 128>}, {transform_indices = @transform_2, window_bounds = array<i64: 1000, 128>}, {transform_indices = @transform_3, window_bounds = array<i64: 1000, 1>}, {pipeline_mode = #tpu.pipeline_mode<synchronous>, transform_indices = @transform_4, window_bounds = array<i64: 1, 128>}, {pipeline_mode = #tpu.pipeline_mode<synchronous>, transform_indices = @transform_5, window_bounds = array<i64: 1, 128>}, {pipeline_mode = #tpu.pipeline_mode<synchronous>, transform_indices = @transform_6, window_bounds = array<i64: 1, 128>}, {transform_indices = @transform_7, window_bounds = array<i64: 1, 1, 1000>}, {pipeline_mode = #tpu.pipeline_mode<synchronous>, transform_indices = @transform_8, window_bounds = array<i64: 128, 128>}, {pipeline_mode = #tpu.pipeline_mode<synchronous>, transform_indices = @transform_9, window_bounds = array<i64: 1, 128>}, {pipeline_mode = #tpu.pipeline_mode<synchronous>, transform_indices = @transform_10, window_bounds = array<i64: 64, 128>}]} {
    %eq3A = arith.constant 0 : i32
    %eq3A_0 = arith.cmpi eq, %arg0, %eq3A : i32
    %convert_element_type3A = arith.extui %eq3A_0 : i1 to i32
    %cond3A = arith.constant 0 : i32
    %cond3A_1 = arith.cmpi ne, %convert_element_type3A, %cond3A : i32
    scf.if %cond3A_1 {
      %broadcast_in_dim3A_92 = arith.constant 0.000000e+00 : f32
      %broadcast_in_dim3A_93 = vector.broadcast %broadcast_in_dim3A_92 : f32 to vector<64x128xf32>
      %swap3A_94 = arith.constant 0 : index
      %swap3A_95 = arith.constant 0 : index
      %swap3A_96 = vector.load %arg12[%swap3A_94, %swap3A_95] : memref<64x128xf32, #tpu.memory_space<vmem>>, vector<64x128xf32>
      tpu.vector_store %arg12[%swap3A_94, %swap3A_95], %broadcast_in_dim3A_93 {strides = array<i32>} : memref<64x128xf32, #tpu.memory_space<vmem>>, vector<64x128xf32>,
      %broadcast_in_dim3A_97 = arith.constant 0.000000e+00 : f32
      %broadcast_in_dim3A_98 = vector.broadcast %broadcast_in_dim3A_97 : f32 to vector<64x1xf32>
      %swap3A_99 = arith.constant 0 : index
      %swap3A_100 = arith.constant 0 : index
      %swap3A_101 = vector.load %arg13[%swap3A_99, %swap3A_100] : memref<64x1xf32, #tpu.memory_space<vmem>>, vector<64x1xf32>
      tpu.vector_store %arg13[%swap3A_99, %swap3A_100], %broadcast_in_dim3A_98 {strides = array<i32>} : memref<64x1xf32, #tpu.memory_space<vmem>>, vector<64x1xf32>,
    } else {
    }
    %get3A = arith.constant 0 : index
    %get3A_2 = arith.constant 0 : index
    %get3A_3 = vector.load %arg4[%get3A, %get3A_2] : memref<1000x1xf32, #tpu.memory_space<vmem>>, vector<1000x1xf32>
    %get3A_4 = arith.constant 0 : index
    %get3A_5 = arith.constant 0 : index
    %get3A_6 = vector.load %arg2[%get3A_4, %get3A_5] : memref<1000x128xf32, #tpu.memory_space<vmem>>, vector<1000x128xf32>
    %get3A_7 = arith.constant 0 : index
    %get3A_8 = arith.constant 0 : index
    %get3A_9 = arith.constant 0 : index
    %get3A_10 = vector.load %arg1[%get3A_7, %get3A_8, %get3A_9] : memref<2x1000x128xf32, #tpu.memory_space<vmem>>, vector<1x1000x128xf32>
    %get3A_11 = vector.shape_cast %get3A_10 : vector<1x1000x128xf32> to vector<1000x128xf32>
    %get3A_12 = arith.constant 1 : index
    %get3A_13 = arith.constant 0 : index
    %get3A_14 = arith.constant 0 : index
    %get3A_15 = vector.load %arg1[%get3A_12, %get3A_13, %get3A_14] : memref<2x1000x128xf32, #tpu.memory_space<vmem>>, vector<1x1000x128xf32>
    %get3A_16 = vector.shape_cast %get3A_15 : vector<1x1000x128xf32> to vector<1000x128xf32>
    %add3A = arith.addf %get3A_11, %get3A_16 : vector<1000x128xf32>
    %mul3A = vector.broadcast %get3A_3 : vector<1000x1xf32> to vector<1000x128xf32>
    %mul3A_17 = arith.mulf %mul3A, %add3A : vector<1000x128xf32>
    %mul3A_18 = arith.mulf %get3A_3, %get3A_3 : vector<1000x1xf32>
    %mul3A_19 = vector.broadcast %mul3A_18 : vector<1000x1xf32> to vector<1000x128xf32>
    %mul3A_20 = arith.mulf %mul3A_19, %get3A_6 : vector<1000x128xf32>
    %add3A_21 = arith.addf %mul3A_17, %mul3A_20 : vector<1000x128xf32>
    %get3A_22 = arith.constant 0 : index
    %get3A_23 = arith.constant 0 : index
    %get3A_24 = vector.load %arg5[%get3A_22, %get3A_23] : memref<1x128xf32, #tpu.memory_space<vmem>>, vector<1x128xf32>
    %add3A_25 = vector.broadcast %get3A_24 : vector<1x128xf32> to vector<1000x128xf32>
    %add3A_26 = arith.addf %add3A_21, %add3A_25 : vector<1000x128xf32>
    %reduce_sum3A = arith.constant dense<0.000000e+00> : vector<1000xf32>
    %reduce_sum3A_27 = vector.multi_reduction <add>, %add3A_26, %reduce_sum3A [1] : vector<1000x128xf32> to vector<1000xf32>
    %broadcast_in_dim3A = vector.shape_cast %reduce_sum3A_27 : vector<1000xf32> to vector<1000x1xf32>
    %div3A = arith.constant 1.280000e+02 : f32
    %div3A_28 = vector.broadcast %div3A : f32 to vector<1000x1xf32>
    %div3A_29 = arith.divf %broadcast_in_dim3A, %div3A_28 : vector<1000x1xf32>
    %sub3A = vector.broadcast %div3A_29 : vector<1000x1xf32> to vector<1000x128xf32>
    %sub3A_30 = arith.subf %add3A_26, %sub3A : vector<1000x128xf32>
    %integer_pow3A = arith.mulf %sub3A_30, %sub3A_30 : vector<1000x128xf32>
    %reduce_sum3A_31 = arith.constant dense<0.000000e+00> : vector<1000xf32>
    %reduce_sum3A_32 = vector.multi_reduction <add>, %integer_pow3A, %reduce_sum3A_31 [1] : vector<1000x128xf32> to vector<1000xf32>
    %broadcast_in_dim3A_33 = vector.shape_cast %reduce_sum3A_32 : vector<1000xf32> to vector<1000x1xf32>
    %div3A_34 = arith.constant 1.280000e+02 : f32
    %div3A_35 = vector.broadcast %div3A_34 : f32 to vector<1000x1xf32>
    %div3A_36 = arith.divf %broadcast_in_dim3A_33, %div3A_35 : vector<1000x1xf32>
    %sub3A_37 = vector.broadcast %div3A_29 : vector<1000x1xf32> to vector<1000x128xf32>
    %sub3A_38 = arith.subf %add3A_26, %sub3A_37 : vector<1000x128xf32>
    %add3A_39 = arith.constant 9.99999974E-6 : f32
    %add3A_40 = vector.broadcast %add3A_39 : f32 to vector<1000x1xf32>
    %add3A_41 = arith.addf %div3A_36, %add3A_40 : vector<1000x1xf32>
    %rsqrt3A = math.rsqrt %add3A_41 : vector<1000x1xf32>
    %mul3A_42 = vector.broadcast %rsqrt3A : vector<1000x1xf32> to vector<1000x128xf32>
    %mul3A_43 = arith.mulf %sub3A_38, %mul3A_42 : vector<1000x128xf32>
    %get3A_44 = arith.constant 0 : index
    %get3A_45 = arith.constant 0 : index
    %get3A_46 = vector.load %arg6[%get3A_44, %get3A_45] : memref<1x128xf32, #tpu.memory_space<vmem>>, vector<1x128xf32>
    %mul3A_47 = vector.broadcast %get3A_46 : vector<1x128xf32> to vector<1000x128xf32>
    %mul3A_48 = arith.mulf %mul3A_43, %mul3A_47 : vector<1000x128xf32>
    %get3A_49 = arith.constant 0 : index
    %get3A_50 = arith.constant 0 : index
    %get3A_51 = vector.load %arg7[%get3A_49, %get3A_50] : memref<1x128xf32, #tpu.memory_space<vmem>>, vector<1x128xf32>
    %add3A_52 = vector.broadcast %get3A_51 : vector<1x128xf32> to vector<1000x128xf32>
    %add3A_53 = arith.addf %mul3A_48, %add3A_52 : vector<1000x128xf32>
    %max3A = arith.constant 0.000000e+00 : f32
    %max3A_54 = vector.broadcast %max3A : f32 to vector<1000x128xf32>
    %max3A_55 = arith.maximumf %add3A_53, %max3A_54 : vector<1000x128xf32>
    %get3A_56 = arith.constant 0 : index
    %get3A_57 = arith.constant 0 : index
    %get3A_58 = vector.load %arg3[%get3A_56, %get3A_57] : memref<1000x128xf32, #tpu.memory_space<vmem>>, vector<1000x128xf32>
    %add3A_59 = arith.addf %max3A_55, %get3A_58 : vector<1000x128xf32>
    %iota3A = tpu.iota {dimensions = array<i32: 0>} : vector<64x1xi32>
    %get3A_60 = arith.constant 0 : index
    %get3A_61 = arith.constant 0 : index
    %get3A_62 = arith.constant 0 : index
    %get3A_63 = vector.load %arg8[%get3A_60, %get3A_61, %get3A_62] : memref<1x1x1000xi32, #tpu.memory_space<vmem>>, vector<1x1x1000xi32>
    %get3A_64 = vector.shape_cast %get3A_63 : vector<1x1x1000xi32> to vector<1x1000xi32>
    %eq3A_65 = vector.broadcast %get3A_64 : vector<1x1000xi32> to vector<64x1000xi32>
    %eq3A_66 = vector.broadcast %iota3A : vector<64x1xi32> to vector<64x1000xi32>
    %eq3A_67 = arith.cmpi eq, %eq3A_65, %eq3A_66 : vector<64x1000xi32>
    %convert_element_type3A_68 = arith.extui %eq3A_67 : vector<64x1000xi1> to vector<64x1000xi32>
    %convert_element_type3A_69 = arith.sitofp %convert_element_type3A_68 : vector<64x1000xi32> to vector<64x1000xf32>
    %get3A_70 = arith.constant 0 : index
    %get3A_71 = arith.constant 0 : index
    %get3A_72 = vector.load %arg12[%get3A_70, %get3A_71] : memref<64x128xf32, #tpu.memory_space<vmem>>, vector<64x128xf32>
    %dot_general3A = arith.constant dense<0.000000e+00> : vector<64x128xf32>
    %dot_general3A_73 = tpu.matmul %convert_element_type3A_69, %add3A_59, %dot_general3A {dimension_numbers = #tpu.dot_dimension_numbers<[1], [0], [0], [1], [0, 0, 1, 1], [], []>, transpose_lhs_hint = false} : vector<64x1000xf32>, vector<1000x128xf32>, vector<64x128xf32> -> vector<64x128xf32>
    %add3A_74 = arith.addf %get3A_72, %dot_general3A_73 : vector<64x128xf32>
    %swap3A = arith.constant 0 : index
    %swap3A_75 = arith.constant 0 : index
    %swap3A_76 = vector.load %arg12[%swap3A, %swap3A_75] : memref<64x128xf32, #tpu.memory_space<vmem>>, vector<64x128xf32>
    tpu.vector_store %arg12[%swap3A, %swap3A_75], %add3A_74 {strides = array<i32>} : memref<64x128xf32, #tpu.memory_space<vmem>>, vector<64x128xf32>,
    %get3A_77 = arith.constant 0 : index
    %get3A_78 = arith.constant 0 : index
    %get3A_79 = vector.load %arg13[%get3A_77, %get3A_78] : memref<64x1xf32, #tpu.memory_space<vmem>>, vector<64x1xf32>
    %reduce_sum3A_80 = arith.constant dense<0.000000e+00> : vector<64xf32>
    %reduce_sum3A_81 = vector.multi_reduction <add>, %convert_element_type3A_69, %reduce_sum3A_80 [1] : vector<64x1000xf32> to vector<64xf32>
    %broadcast_in_dim3A_82 = vector.shape_cast %reduce_sum3A_81 : vector<64xf32> to vector<64x1xf32>
    %add3A_83 = arith.addf %get3A_79, %broadcast_in_dim3A_82 : vector<64x1xf32>
    %swap3A_84 = arith.constant 0 : index
    %swap3A_85 = arith.constant 0 : index
    %swap3A_86 = vector.load %arg13[%swap3A_84, %swap3A_85] : memref<64x1xf32, #tpu.memory_space<vmem>>, vector<64x1xf32>
    tpu.vector_store %arg13[%swap3A_84, %swap3A_85], %add3A_83 {strides = array<i32>} : memref<64x1xf32, #tpu.memory_space<vmem>>, vector<64x1xf32>,
    %eq3A_87 = arith.constant 9 : i32
    %eq3A_88 = arith.cmpi eq, %arg0, %eq3A_87 : i32
    %convert_element_type3A_89 = arith.extui %eq3A_88 : i1 to i32
    %cond3A_90 = arith.constant 0 : i32
    %cond3A_91 = arith.cmpi ne, %convert_element_type3A_89, %cond3A_90 : i32
    scf.if %cond3A_91 {
      %get3A_92 = arith.constant 0 : index
      %get3A_93 = arith.constant 0 : index
      %get3A_94 = vector.load %arg12[%get3A_92, %get3A_93] : memref<64x128xf32, #tpu.memory_space<vmem>>, vector<64x128xf32>
      %get3A_95 = arith.constant 0 : index
      %get3A_96 = arith.constant 0 : index
      %get3A_97 = vector.load %arg13[%get3A_95, %get3A_96] : memref<64x1xf32, #tpu.memory_space<vmem>>, vector<64x1xf32>
      %max3A_98 = arith.constant 1.000000e+00 : f32
      %max3A_99 = vector.broadcast %max3A_98 : f32 to vector<64x1xf32>
      %max3A_100 = arith.maximumf %get3A_97, %max3A_99 : vector<64x1xf32>
      %div3A_101 = vector.broadcast %max3A_100 : vector<64x1xf32> to vector<64x128xf32>
      %div3A_102 = arith.divf %get3A_94, %div3A_101 : vector<64x128xf32>
      %get3A_103 = arith.constant 0 : index
      %get3A_104 = arith.constant 0 : index
      %get3A_105 = vector.load %arg9[%get3A_103, %get3A_104] : memref<128x128xf32, #tpu.memory_space<vmem>>, vector<128x128xf32>
      %dot_general3A_106 = arith.constant dense<0.000000e+00> : vector<64x128xf32>
      %dot_general3A_107 = tpu.matmul %div3A_102, %get3A_105, %dot_general3A_106 {dimension_numbers = #tpu.dot_dimension_numbers<[1], [0], [0], [1], [0, 0, 1, 1], [], []>, transpose_lhs_hint = false} : vector<64x128xf32>, vector<128x128xf32>, vector<64x128xf32> -> vector<64x128xf32>
      %get3A_108 = arith.constant 0 : index
      %get3A_109 = arith.constant 0 : index
      %get3A_110 = vector.load %arg10[%get3A_108, %get3A_109] : memref<1x128xf32, #tpu.memory_space<vmem>>, vector<1x128xf32>
      %add3A_111 = vector.broadcast %get3A_110 : vector<1x128xf32> to vector<64x128xf32>
      %add3A_112 = arith.addf %dot_general3A_107, %add3A_111 : vector<64x128xf32>
      %swap3A_113 = arith.constant 0 : index
      %swap3A_114 = arith.constant 0 : index
      %swap3A_115 = vector.load %arg11[%swap3A_113, %swap3A_114] : memref<64x128xf32, #tpu.memory_space<vmem>>, vector<64x128xf32>
      tpu.vector_store %arg11[%swap3A_113, %swap3A_114], %add3A_112 {strides = array<i32>} : memref<64x128xf32, #tpu.memory_space<vmem>>, vector<64x128xf32>,
    } else {
    }
    return
  }
  func.func @transform_0(%arg0: i32) -> (i32, i32, i32) {
    %c0_i32 = arith.constant 0 : i32
    %c0_i32_0 = arith.constant 0 : i32
    %c0_i32_1 = arith.constant 0 : i32
    return %c0_i32, %arg0, %c0_i32_0 : i32, i32, i32
  }
  func.func @transform_1(%arg0: i32) -> (i32, i32) {
    %c0_i32 = arith.constant 0 : i32
    %c0_i32_0 = arith.constant 0 : i32
    return %arg0, %c0_i32 : i32, i32
  }
  func.func @transform_2(%arg0: i32) -> (i32, i32) {
    %c0_i32 = arith.constant 0 : i32
    %c0_i32_0 = arith.constant 0 : i32
    return %arg0, %c0_i32 : i32, i32
  }
  func.func @transform_3(%arg0: i32) -> (i32, i32) {
    %c0_i32 = arith.constant 0 : i32
    %c0_i32_0 = arith.constant 0 : i32
    return %arg0, %c0_i32 : i32, i32
  }
  func.func @transform_4(%arg0: i32) -> (i32, i32) {
    %c0_i32 = arith.constant 0 : i32
    %c0_i32_0 = arith.constant 0 : i32
    %c0_i32_1 = arith.constant 0 : i32
    return %c0_i32, %c0_i32_0 : i32, i32
  }
  func.func @transform_5(%arg0: i32) -> (i32, i32) {
    %c0_i32 = arith.constant 0 : i32
    %c0_i32_0 = arith.constant 0 : i32
    %c0_i32_1 = arith.constant 0 : i32
    return %c0_i32, %c0_i32_0 : i32, i32
  }
  func.func @transform_6(%arg0: i32) -> (i32, i32) {
    %c0_i32 = arith.constant 0 : i32
    %c0_i32_0 = arith.constant 0 : i32
    %c0_i32_1 = arith.constant 0 : i32
    return %c0_i32, %c0_i32_0 : i32, i32
  }
  func.func @transform_7(%arg0: i32) -> (i32, i32, i32) {
    %c0_i32 = arith.constant 0 : i32
    %c0_i32_0 = arith.constant 0 : i32
    %c0_i32_1 = arith.constant 0 : i32
    return %arg0, %c0_i32, %c0_i32_0 : i32, i32, i32
  }
  func.func @transform_8(%arg0: i32) -> (i32, i32) {
    %c0_i32 = arith.constant 0 : i32
    %c0_i32_0 = arith.constant 0 : i32
    %c0_i32_1 = arith.constant 0 : i32
    return %c0_i32, %c0_i32_0 : i32, i32
  }
  func.func @transform_9(%arg0: i32) -> (i32, i32) {
    %c0_i32 = arith.constant 0 : i32
    %c0_i32_0 = arith.constant 0 : i32
    %c0_i32_1 = arith.constant 0 : i32
    return %c0_i32, %c0_i32_0 : i32, i32
  }
  func.func @transform_10(%arg0: i32) -> (i32, i32) {
    %c0_i32 = arith.constant 0 : i32
    %c0_i32_0 = arith.constant 0 : i32
    %c0_i32_1 = arith.constant 0 : i32
    return %c0_i32, %c0_i32_0 : i32, i32
  }
}

</mosaic_0001>

<sc_bundles>
// kernel: kernel.11.cloned.1.call-start
scs
__scs_entry_jumppad:
0x0: {  	(pc) =	sbr.rel $0x88, $3  }
0x1: {  	(tag) =	ssettag $0x0;
	lr =	simm.s32 $0x1  }
0x2: {  	[smem:$0x3F94] =	sst lr;
	_ =	strace $0xD0000000  }
0x3: {  	_ = 	snop  }
0x4: {  	_ = 	snop  }
0x5: {  	_ = 	snop  }
0x6: {  	_ = 	snop  }
0x7: {  	_ = 	snop  }
__scs_overlays_trampoline_lowered:
0x8: {  	[smem:$0x3FA3] =	sst s0  }
0x9: {  	[smem:$0x3FA4] =	sst s1  }
0xa: {  	[smem:$0x3FA5] =	sst s2  }
0xb: {  	[smem:$0x3FA6] =	sst s3  }
0xc: {  	[smem:$0x3FA7] =	sst s4  }
0xd: {  	[smem:$0x3FA8] =	sst s5  }
0xe: {  	[smem:$0x3FA9] =	sst s6  }
0xf: {  	[smem:$0x3FAA] =	sst s7  }
0x10: {  	[smem:$0x3FAB] =	sst s8  }
0x11: {  	[smem:$0x3FAC] =	sst s9;
	s0 =	simm.s32 @!p0 $0x0  }
0x12: {  	s1 =	sld [smem:$0x3F92];
	s0 =	simm.s32 @p0 $0x1  }
0x13: {  	[smem:$0x3FAD] =	sst s0;
	s0 =	simm.s32 @!p1 $0x0  }
0x14: {  	s2 =	sld [smem:$0x3F91];
	s0 =	simm.s32 @p1 $0x1  }
0x15: {  	[smem:$0x3FAE] =	sst s0;
	s0 =	simm.s32 @!p2 $0x0  }
0x16: {  	s3 =	sld [smem:$0x3FDB];
	s0 =	simm.s32 @p2 $0x1  }
0x17: {  	s4 =	simm.s32 $0x1BF5;
	[smem:$0x3FB0] =	sst s0  }
0x18: {  	s0 =	sld [smem:$0x3F93];
	_ =	swait.ge [sflag:s4], $0x0  }
0x19: {  	s7 =	sld [smem:$0x3F94]  }
0x1a: {  	s8 =	sadd.s32 $0xFFFFE003, lr  }
0x1b: {  	s9 =	sadd.s32 $0xFFFFFEF7, lr;
	s5 =	simm.s32 $0xFFFFFFFF;
	p2 =	slt.u32 s8, $0xFFFFF086  }
0x1c: {  	p1 =	slt.u32 s9, $0xF7A;
	s5 =	simm.s32 @!p2 $0x0  }
0x1d: {  	s5 =	simm.s32 @p1 $0x1;
	p0 =	seq.s32 s7, s2  }
0x1e: {  	s7 =	smul.u32 @!p0 $0xF7A, s2;
	p2 =	seq.s32 @!p0 s5, $0x0  }
0x1f: {  	s9 =	smul.u32 $0xF7A, s1;
	s8 =	simm.s32 @!p0 $0x1BF5;
	p2 =	por !p2, p0  }
0x20: {  	[sflag:s8] =	ssyncset.s32 @!p0 $0xFFFFF086;
	s6 =	sadd.s32 @!p0 s3, s7;
	s7 =	simm.s32 @!p0 $0x108  }
0x21: {  	s3 =	sadd.s32 s3, s9;
	s6 =	sadd.s32 @!p0 $0x88, s6;
	s7 =	simm.s32 @p2 $0x1082  }
0x22: {  	[simem:s7], [sflag:s8] =	dma.local @!p0 [hbm:s6], $0xF7A  }
0x23: {  	s9 =	sor.u32 $0xD0000000, s2;
	s6 =	simm.s32 $0x108;
	_ =	swait.ge @!p0 [sflag:s8], $0x0  }
0x24: {  	s3 =	sadd.s32 $0x88, s3;
	s6 =	simm.s32 @!p1 $0x1082;
	[sflag:s4] =	ssyncset.s32 $0xFFFFF086  }
0x25: {  	[simem:s6], [sflag:s4] =	dma.local [hbm:s3], $0xF7A  }
0x26: {  	[smem:$0x3F94] =	sst s1;
	(tag) =	ssettag s2;
	_ =	strace s9  }
0x27: {  	s1 =	sld [smem:$0x3FA4]  }
0x28: {  	s2 =	sld [smem:$0x3FA5]  }
0x29: {  	s4 =	sld [smem:$0x3FA7]  }
0x2a: {  	p0 =	seq.s32 s5, $0x0;
	s5 =	sld [smem:$0x3FA8]  }
0x2b: {  	s6 =	sld [smem:$0x3FA9]  }
0x2c: {  	s7 =	sld [smem:$0x3FAA]  }
0x2d: {  	s3 =	simm.s32 $0x108;
	s8 =	sld [smem:$0x3FAB]  }
0x2e: {  	s3 =	simm.s32 @!p0 $0x1082;
	s9 =	sld [smem:$0x3FAC]  }
0x2f: {  	lr =	sadd.s32 s0, s3;
	s0 =	sld [smem:$0x3FA3]  }
0x30: {  	s3 =	sld [smem:$0x3FA6]  }
0x31: {  	[smem:$0x3FAF] =	sst s10  }
0x32: {  	s10 =	sld [smem:$0x3FAD];
	_ =	sdelay $0x3  }
0x33: {  	p0 =	seq.s32 s10, $0x1;
	s10 =	sld [smem:$0x3FAF];
	_ =	sdelay $0x3  }
0x34: {  	[smem:$0x3FAF] =	sst s10  }
0x35: {  	s10 =	sld [smem:$0x3FAE];
	_ =	sdelay $0x3  }
0x36: {  	p1 =	seq.s32 s10, $0x1;
	s10 =	sld [smem:$0x3FAF];
	_ =	sdelay $0x3  }
0x37: {  	[smem:$0x3FAF] =	sst s10  }
0x38: {  	s10 =	sld [smem:$0x3FB0]  }
0x39: {  	_ = 	snop;
	(pc) =	sbr.ind lr, $3  }
0x3a: {  	_ = 	snop  }
0x3b: {  	_ = 	snop  }
0x3c: {  	p2 =	seq.s32 s10, $0x1;
	s10 =	sld [smem:$0x3FAF]  }
0x3d: {  	_ =	shalt  }
0x3e: {  	_ =	shalt  }
0x3f: {  	_ =	shalt  }
0x40: {  	_ =	shalt  }
0x41: {  	_ =	shalt  }
0x42: {  	_ =	shalt  }
0x43: {  	_ =	shalt  }
0x44: {  	_ =	shalt  }
0x45: {  	_ =	shalt  }
0x46: {  	_ =	shalt  }
0x47: {  	_ =	shalt  }
0x48: {  	_ =	shalt  }
0x49: {  	_ =	shalt  }
0x4a: {  	_ =	shalt  }
0x4b: {  	_ =	shalt  }
0x4c: {  	_ =	shalt  }
0x4d: {  	_ =	shalt  }
0x4e: {  	_ =	shalt  }
0x4f: {  	_ =	shalt  }
0x50: {  	_ =	shalt  }
0x51: {  	_ =	shalt  }
0x52: {  	_ =	shalt  }
0x53: {  	_ =	shalt  }
0x54: {  	_ =	shalt  }
0x55: {  	_ =	shalt  }
0x56: {  	_ =	shalt  }
0x57: {  	_ =	shalt  }
0x58: {  	_ =	shalt  }
0x59: {  	_ =	shalt  }
0x5a: {  	_ =	shalt  }
0x5b: {  	_ =	shalt  }
0x5c: {  	_ =	shalt  }
0x5d: {  	_ =	shalt  }
0x5e: {  	_ =	shalt  }
0x5f: {  	_ =	shalt  }
0x60: {  	_ =	shalt  }
0x61: {  	_ =	shalt  }
0x62: {  	_ =	shalt  }
0x63: {  	_ =	shalt  }
0x64: {  	_ =	shalt  }
0x65: {  	_ =	shalt  }
0x66: {  	_ =	shalt  }
0x67: {  	_ =	shalt  }
0x68: {  	_ =	shalt  }
0x69: {  	_ =	shalt  }
0x6a: {  	_ =	shalt  }
0x6b: {  	_ =	shalt  }
0x6c: {  	_ =	shalt  }
0x6d: {  	_ =	shalt  }
0x6e: {  	_ =	shalt  }
0x6f: {  	_ =	shalt  }
0x70: {  	_ =	shalt  }
0x71: {  	_ =	shalt  }
0x72: {  	_ =	shalt  }
0x73: {  	_ =	shalt  }
0x74: {  	_ =	shalt  }
0x75: {  	_ =	shalt  }
0x76: {  	_ =	shalt  }
0x77: {  	_ =	shalt  }
0x78: {  	_ =	shalt  }
0x79: {  	_ =	shalt  }
0x7a: {  	_ =	shalt  }
0x7b: {  	_ =	shalt  }
0x7c: {  	_ =	shalt  }
0x7d: {  	_ =	shalt  }
0x7e: {  	_ =	shalt  }
0x7f: {  	_ =	shalt  }
0x80: {  	_ =	shalt  }
0x81: {  	_ =	shalt  }
0x82: {  	_ =	shalt  }
0x83: {  	_ =	shalt  }
0x84: {  	_ =	shalt  }
0x85: {  	_ =	shalt  }
0x86: {  	_ =	shalt  }
0x87: {  	_ =	shalt  }
.Lfunc_end0:
.L_simem_size_0:
called_computation.1_lowered:
.L_overlay_start_0:
0x88: {  	s2 =	sld [smem:$0x3FD9]  }
0x89: {  	s3 =	sld [smem:$0x3FFE];
	_ =	sdelay $0x1  }
0x8a: {  	s1 =	srdreg.scid  }
0x8b: {  	s0 =	sand.u32 $0x1, s1  }
0x8c: {  	s16 =	sshll.u32 s0, $0xA;
	s2 =	sadd.s32 s3, s2  }
0x8d: {  	s2 =	sadd.s32 s2, s16  }
0x8e: {  	[smem:$0x3FBB] =	sst s2  }
0x8f: {  	_ = 	snop  }
0x90: {  	(tm) =	ssettm $0x1  }
0x91: {  	s17 =	sld [smem:$0x3FFB];
	_ =	sdelay $0x3  }
0x92: {  	_ =	strace s17  }
0x93: {  	s2 =	sld [smem:$0x3FFC];
	_ =	sdelay $0x3  }
0x94: {  	_ =	strace s2  }
0x95: {  	s2 =	sld [smem:$0x3FFD];
	_ =	sdelay $0x3  }
0x96: {  	_ =	strace s2  }
0x97: {  	_ =	strace $0x8FFFFFFF  }
0x98: {  	s18 =	sld [smem:$0x3FDB];
	_ =	sdelay $0x1  }
0x99: {  	s19 =	simm.s32 $_scs_section_size  }
0x9a: {  	s4 =	simm.s32 $_size__tile_overlayer_lowered;
	s5 =	simm.s32 $_tile_overlayer_lowered  }
0x9b: {  	s22 =	simm.s32 $0x1BFF;
	s21 =	sshll.u32 s5, $0x1;
	s2 =	sadd.s32 s19, s18  }
0x9c: {  	s6 =	simm.s32 $0x0;
	s20 =	sshll.u32 s4, $0x1;
	s4 =	sadd.s32 s21, s2  }
0x9d: {  	[timem:s6], [sflag:s22] =	dma.local [hbm:s4], s20  }
0x9e: {  	_ =	swait.ge [sflag:s22], s20  }
0x9f: {  	s3 =	ssub.s32 $0x0, s20;
	[sflag:s22] =	ssyncset.done $0x0  }
0xa0: {  	[sflag:s22] =	ssyncadd.s32 s3;
	_ =	sdelay $0x1  }
0xa1: {  	s23 =	simm.s32 $0x1B8B  }
0xa2: {  	_ =	swait.ge [sflag:s23], $0x1  }
0xa3: {  	[sflag:s23] =	ssyncset.done $0x0  }
0xa4: {  	s25 =	simm.s32 $0x1B8E;
	s24 =	sld [smem:$0x3FFE];
	[sflag:s23] =	ssyncadd.s32 $0xFFFFFFFF  }
0xa5: {  	s26 =	simm.s32 $execute0_lowered;
	[smem:$0x3FD2] =	sst s25  }
0xa6: {  	s4 =	sshll.u32 s26, $0x1;
	_ =	strace $0x80000049;
	[dreg:$0x1] =	wrdreg $0xFFFFFFFF  }
0xa7: {  	s28 =	simm.s32 $_size_execute0_lowered;
	s2 =	sadd.s32 s2, s4;
	[dreg:$0x0] =	wrdreg $0x0  }
0xa8: {  	s4 =	sshll.u32 s28, $0x1;
	[dreg:$0x2] =	wrdreg s2  }
0xa9: {  	[dreg:$0x3] =	wrdreg s4  }
0xaa: {  	[dreg:$0x4] =	wrdreg $0xC0  }
0xab: {  	_ =	task [dreg:s6], $0x5FFFF  }
0xac: {  	[dreg:$0x1] =	wrdreg $0xFFFFFFFF  }
0xad: {  	[dreg:$0x0] =	wrdreg $0x60  }
0xae: {  	[dreg:$0x2] =	wrdreg s24  }
0xaf: {  	[dreg:$0x3] =	wrdreg $0x29000  }
0xb0: {  	[dreg:$0x4] =	wrdreg $0x9  }
0xb1: {  	_ =	task.clear_ibuf [dreg:s6], $0x5FFFF;
	_ =	strace $0x90000049  }
0xb2: {  	s29 =	simm.s32 $0x9;
	_ =	strace $0x8000004B  }
0xb3: {  	_ =	swait.ge [sflag:s29], $0x1  }
0xb4: {  	[sflag:s29] =	ssyncadd.s32 $0xFFFFFFFF  }
0xb5: {  	_ =	strace $0x9000004B  }
0xb6: {  	_ =	sfence  }
0xb7: {  	s30 =	sld [smem:$0x0];
	_ =	sdelay $0x2  }
0xb8: {  	s31 =	sshll.u32 s1, $0xD;
	s1 =	sshrl.u32 s1, $0x2  }
0xb9: {  	s3 =	sand.u32 $0x4000, s31;
	s1 =	sadd.s32 s1, s30  }
0xba: {  	s0 =	sor.u32 s3, s0;
	s1 =	sshll.u32 s1, $0x11  }
0xbb: {  	s0 =	sor.u32 s1, s0  }
0xbc: {  	s0 =	sadd.s32 $0x8F2B, s0  }
0xbd: {  	[sflag:s0] =	ssyncadd.remote.s32 $0x1  }
0xbe: {  	_ =	sfence.sel $0xFFFF  }
0xbf: {  	[dreg:$0x0] =	wrdreg $0xFFFFFFFF;
	(pc) =	sbr.abs _section_cstart, $3  }
0xc0: {  	[dreg:$0x1] =	wrdreg $0xFFFFFFFF  }
0xc1: {  	_ =	task.clear_ibuf [dreg:s6], $0x2FFFF;
	_ =	strace $0x9FFFFFFF  }
0xc2: {  	(tm) =	ssettm $0x7FFFFFFF  }
0xc3: {  	_ =	shalt  }
tec
execute0_lowered:
.L_overlay_start_1:
0x0: {  	(tag) =	ssettag $0x1  }
0x1: {  	s5 =	rddreg [dreg:$0x0]  }
0x2: {  	s2 =	rddreg [dreg:$0x1]  }
0x3: {  	s0 =	srdreg.scid;
	s1 =	rddreg [dreg:$0x2]  }
0x4: {  	s3 =	simm.s32 $0x0;
	s17 =	simm.s32 $0x100;
	s6 =	sand.u32 $0x1, s0  }
0x5: {  	s18 =	simm.s32 $0x1;
	s0 =	stileid.u32;
	s4 =	smul.u32 $0x27100, s6  }
0x6: {  	s19 =	simm.s32 $0x80;
	s20 =	simm.s32 $0x50;
	s7 =	smul.u32 $0x2710, s0  }
0x7: {  	s22 =	simm.s32 $0x0;
	[smem:$0x7FF] =	sst s3;
	s8 =	smul.u32 $0x28000, s6  }
0x8: {  	s29 =	smul.u32 $0x2800, s0;
	_ =	strace $0x8000004A;
	s6 =	ssub.s32 $0x2, s6  }
0x9: {  	s10 =	smul.u32 $0x50000, s0;
	s21 =	sshll.u32 s0, $0x6;
	s30 =	sshrl.u32 s6, $0x1  }
0xa: {  	s21 =	sor.u32 $0x1C01, s21;
	s4 =	sadd.s32 s7, s4;
	s7 =	sadd.s32 s29, s8  }
0xb: {  	s31 =	sshrl.u32 s10, $0x2;
	s8 =	ssub.s32 s6, s30;
	s9 =	sshrl.u32 s4, $0x3  }
0xc: {  	s4 =	sadd.s32 $0x17400, s5;
	s7 =	sadd.s32 s7, s5;
	s16 =	sadd.s32 s9, s5  }
0xd: {  	s5 =	sadd.s32 s31, s2;
	s6 =	sadd.s32 $0x65800, s7;
	s7 =	smax.u32 s8, $0x1  }
0xe: {  	s8 =	sadd.s32 $0x2800, s5;
	s9 =	sadd.s32 $0x5000, s5;
	s10 =	sadd.s32 $0x7800, s5  }
0xf: {  	s11 =	sadd.s32 $0xA000, s5;
	s12 =	sadd.s32 $0xC800, s5;
	s13 =	sadd.s32 $0xF000, s5  }
0x10: {  	v0 =	vimm.f32 $0.0e+00;
	s14 =	sadd.s32 $0x11800, s5;
	s15 =	sadd.s32 $0xD600, s16;
	s16 =	sadd.s32 $0x3800, s16  }
.LBB2_1:
0x11: {  	s23 =	simm.s32 $0x70;
	s24 =	simm.s32 $0x3C0  }
.LBB2_2:
0x12: {  	p0 =	sne.s32 s24, $0x9FC0;
	[tilespmem:s23+$0x100] =	vst v0  }
0x13: {  	[tilespmem:s23+$0x90] =	vst v0  }
0x14: {  	[tilespmem:s23+$0xA0] =	vst v0  }
.Ltmp0:
0x15: {  	[tilespmem:s23+$0xB0] =	vst v0;
	(pc) =	sbr.rel @p0 .LBB2_2-.Ltmp0, $4  }
0x16: {  	[tilespmem:s23+$0xC0] =	vst v0  }
0x17: {  	[tilespmem:s23+$0xD0] =	vst v0  }
0x18: {  	[tilespmem:s23+$0xE0] =	vst v0  }
0x19: {  	[tilespmem:s23+$0xF0] =	vst v0;
	s23 =	sshra.s32 s24, $0x2;
	s24 =	sadd.s32 $0x200, s24  }
0x1a: {  	[tilespmem:s23+$0x100] =	vst v0  }
0x1b: {  	[tilespmem:s23+$0x90] =	vst v0  }
0x1c: {  	[tilespmem:s23+$0xA0] =	vst v0  }
0x1d: {  	[tilespmem:s23+$0xB0] =	vst v0  }
0x1e: {  	[tilespmem:s23+$0xC0] =	vst v0  }
0x1f: {  	[tilespmem:s23+$0xD0] =	vst v0  }
0x20: {  	[tilespmem:s23+$0xE0] =	vst v0  }
0x21: {  	[tilespmem:s23+$0xF0] =	vst v0  }
0x22: {  	[spmem:s5] =	stream.linear.scatter [tilespmem:s17], [sflag:$0x1], $0x2800, $0x38;
	[tilespmem:$0x16900] =	vst v63  }
0x23: {  	_ =	swait.ge [sflag:s18], $0x2800  }
0x24: {  	[sflag:s18] =	ssyncset.done $0x0  }
0x25: {  	[sflag:s18] =	ssyncadd.s32 $0xFFFFD800  }
0x26: {  	[spmem:s8] =	stream.linear.scatter [tilespmem:s17], [sflag:$0x1], $0x2800, $0x38;
	[tilespmem:$0x16900] =	vst v63  }
0x27: {  	_ =	swait.ge [sflag:s18], $0x2800  }
0x28: {  	[sflag:s18] =	ssyncset.done $0x0  }
0x29: {  	[sflag:s18] =	ssyncadd.s32 $0xFFFFD800  }
0x2a: {  	[spmem:s9] =	stream.linear.scatter [tilespmem:s17], [sflag:$0x1], $0x2800, $0x38;
	[tilespmem:$0x16900] =	vst v63  }
0x2b: {  	_ =	swait.ge [sflag:s18], $0x2800  }
0x2c: {  	[sflag:s18] =	ssyncset.done $0x0  }
0x2d: {  	[sflag:s18] =	ssyncadd.s32 $0xFFFFD800  }
0x2e: {  	[spmem:s10] =	stream.linear.scatter [tilespmem:s17], [sflag:$0x1], $0x2800, $0x38;
	[tilespmem:$0x16900] =	vst v63  }
0x2f: {  	_ =	swait.ge [sflag:s18], $0x2800  }
0x30: {  	[sflag:s18] =	ssyncset.done $0x0  }
0x31: {  	[sflag:s18] =	ssyncadd.s32 $0xFFFFD800  }
0x32: {  	[spmem:s11] =	stream.linear.scatter [tilespmem:s17], [sflag:$0x1], $0x2800, $0x38;
	[tilespmem:$0x16900] =	vst v63  }
0x33: {  	_ =	swait.ge [sflag:s18], $0x2800  }
0x34: {  	[sflag:s18] =	ssyncset.done $0x0  }
0x35: {  	[sflag:s18] =	ssyncadd.s32 $0xFFFFD800  }
0x36: {  	[spmem:s12] =	stream.linear.scatter [tilespmem:s17], [sflag:$0x1], $0x2800, $0x38;
	[tilespmem:$0x16900] =	vst v63  }
0x37: {  	_ =	swait.ge [sflag:s18], $0x2800  }
0x38: {  	[sflag:s18] =	ssyncset.done $0x0  }
0x39: {  	[sflag:s18] =	ssyncadd.s32 $0xFFFFD800  }
0x3a: {  	[spmem:s13] =	stream.linear.scatter [tilespmem:s17], [sflag:$0x1], $0x2800, $0x38;
	[tilespmem:$0x16900] =	vst v63  }
0x3b: {  	_ =	swait.ge [sflag:s18], $0x2800  }
0x3c: {  	[sflag:s18] =	ssyncset.done $0x0  }
0x3d: {  	[sflag:s18] =	ssyncadd.s32 $0xFFFFD800  }
0x3e: {  	[spmem:s14] =	stream.linear.scatter [tilespmem:s17], [sflag:$0x1], $0x2800, $0x38;
	[tilespmem:$0x16900] =	vst v63  }
0x3f: {  	_ =	swait.ge [sflag:s18], $0x2800  }
0x40: {  	[sflag:s18] =	ssyncset.done $0x0  }
0x41: {  	[sflag:s18] =	ssyncadd.s32 $0xFFFFD800  }
0x42: {  	s30 =	sadd.s32 $0x0, s16;
	[bflag:$0x0] =	sbarrier.arrive $0xFFFF  }
0x43: {  	[tilespmem:s3], [sflag:$0x1] =	stream.linear.gather [hbm4b:s30+s3], $0x50, $0x38;
	[tilespmem:$0x16900] =	vst v63  }
0x44: {  	_ =	swait.ge [sflag:s18], $0x50  }
0x45: {  	[sflag:s18] =	ssyncset.done $0x0  }
0x46: {  	s31 =	sadd.s32 $0x0, s15;
	[sflag:s18] =	ssyncadd.s32 $0xFFFFFFB0  }
0x47: {  	[tilespmem:s19], [sflag:$0x1] =	stream.linear.gather [hbm4b:s31+s3], $0x50, $0x38;
	[tilespmem:$0x16900] =	vst v63  }
0x48: {  	_ =	swait.ge [sflag:s18], $0x50  }
0x49: {  	[sflag:s18] =	ssyncset.done $0x0  }
0x4a: {  	[sflag:s18] =	ssyncadd.s32 $0xFFFFFFB0  }
0x4b: {  	[tilespmem:s17], [sflag:$0x1] =	stream.indirect.gather [hbm4b:s4+s20], $0x80, s3, s20, $0xb8;
	[tilespmem:$0x16900] =	vst v63  }
0x4c: {  	_ =	swait.ge [sflag:s18], $0x2800  }
0x4d: {  	[sflag:s18] =	ssyncset.done $0x0  }
0x4e: {  	[sflag:s18] =	ssyncadd.s32 $0xFFFFD800  }
0x4f: {  	[spmem:s2] =	stream.indirect.scatter.add.f32 [tilespmem:s17], [sflag:$0x1], $0x80, s19, s20, $0xb8;
	[tilespmem:$0x16900] =	vst v63  }
0x50: {  	_ =	swait.ge [sflag:s18], $0x2800  }
0x51: {  	s23 =	simm.s32 $0xA;
	s24 =	simm.s32 $0x14;
	[sflag:s18] =	ssyncset.done $0x0  }
.LBB2_4:
0x52: {  	s25 =	sadd.s32 s23, s16  }
0x53: {  	[sflag:s18] =	ssyncadd.s32 $0xFFFFD800;
	s26 =	smov.u32 s24;
	s28 =	sadd.s32 $0xA, s24  }
0x54: {  	[tilespmem:s3], [sflag:$0x1] =	stream.linear.gather [hbm4b:s25+s3], $0x50, $0x38;
	[tilespmem:$0x16900] =	vst v63  }
0x55: {  	p0 =	sne.s32 s24, $0x4D8;
	_ =	swait.ge [sflag:s18], $0x50  }
0x56: {  	[sflag:s18] =	ssyncset.done $0x0  }
0x57: {  	s24 =	sadd.s32 s23, s15;
	s23 =	smov.u32 s26;
	[sflag:s18] =	ssyncadd.s32 $0xFFFFFFB0  }
0x58: {  	[tilespmem:s19], [sflag:$0x1] =	stream.linear.gather [hbm4b:s24+s3], $0x50, $0x38;
	[tilespmem:$0x16900] =	vst v63  }
0x59: {  	_ =	swait.ge [sflag:s18], $0x50  }
0x5a: {  	[sflag:s18] =	ssyncset.done $0x0  }
0x5b: {  	[sflag:s18] =	ssyncadd.s32 $0xFFFFFFB0  }
0x5c: {  	[tilespmem:s17], [sflag:$0x1] =	stream.indirect.gather [hbm4b:s4+s20], $0x80, s3, s20, $0xb8;
	[tilespmem:$0x16900] =	vst v63  }
0x5d: {  	_ =	swait.ge [sflag:s18], $0x2800  }
.Ltmp1:
0x5e: {  	[sflag:s18] =	ssyncset.done $0x0;
	(pc) =	sbr.rel @p0 .LBB2_4-.Ltmp1, $4  }
0x5f: {  	[sflag:s18] =	ssyncadd.s32 $0xFFFFD800  }
0x60: {  	[spmem:s2] =	stream.indirect.scatter.add.f32 [tilespmem:s17], [sflag:$0x1], $0x80, s19, s20, $0xb8;
	[tilespmem:$0x16900] =	vst v63  }
0x61: {  	_ =	swait.ge [sflag:s18], $0x2800  }
0x62: {  	s24 =	smov.u32 s28;
	[sflag:s18] =	ssyncset.done $0x0  }
0x63: {  	s24 =	sadd.s32 s23, s16;
	[sflag:s18] =	ssyncadd.s32 $0xFFFFD800  }
0x64: {  	[tilespmem:s3], [sflag:$0x1] =	stream.linear.gather [hbm4b:s24+s3], $0x50, $0x38;
	[tilespmem:$0x16900] =	vst v63  }
0x65: {  	_ =	swait.ge [sflag:s18], $0x50  }
0x66: {  	[sflag:s18] =	ssyncset.done $0x0  }
0x67: {  	s30 =	sadd.s32 s23, s15;
	[sflag:s18] =	ssyncadd.s32 $0xFFFFFFB0  }
0x68: {  	[tilespmem:s19], [sflag:$0x1] =	stream.linear.gather [hbm4b:s30+s3], $0x50, $0x38;
	[tilespmem:$0x16900] =	vst v63  }
0x69: {  	_ =	swait.ge [sflag:s18], $0x50  }
0x6a: {  	[sflag:s18] =	ssyncset.done $0x0  }
0x6b: {  	[sflag:s18] =	ssyncadd.s32 $0xFFFFFFB0  }
0x6c: {  	[tilespmem:s17], [sflag:$0x1] =	stream.indirect.gather [hbm4b:s4+s20], $0x80, s3, s20, $0xb8;
	[tilespmem:$0x16900] =	vst v63  }
0x6d: {  	_ =	swait.ge [sflag:s18], $0x2800  }
0x6e: {  	[sflag:s18] =	ssyncset.done $0x0  }
0x6f: {  	[sflag:s18] =	ssyncadd.s32 $0xFFFFD800  }
0x70: {  	[spmem:s2] =	stream.indirect.scatter.add.f32 [tilespmem:s17], [sflag:$0x1], $0x80, s19, s20, $0xb8;
	[tilespmem:$0x16900] =	vst v63  }
0x71: {  	_ =	swait.ge [sflag:s18], $0x2800  }
0x72: {  	s22 =	sadd.s32 $0x1, s22;
	[sflag:s18] =	ssyncset.done $0x0  }
0x73: {  	p0 =	sne.s32 s22, s7;
	[sflag:s18] =	ssyncadd.s32 $0xFFFFD800  }
.Ltmp2:
0x74: {  	s31 =	sshrl.u32 s5, $0x3;
	[bflag:$0x0] =	sbarrier.arrive $0xFFFF;
	(pc) =	sbr.rel @p0 .LBB2_1-.Ltmp2, $4  }
0x75: {  	[hbm:s6], [sflag:s21] =	dma.local [spmem:s31], $0x2800  }
0x76: {  	_ =	swait.ge [sflag:s18], $0x2800  }
0x77: {  	[sflag:s18] =	ssyncset.done $0x0  }
0x78: {  	[sflag:s18] =	ssyncadd.s32 $0xFFFFD800  }
0x79: {  	_ =	sfence.sel $0x180000  }
0x7a: {  	[bflag:$0x0] =	sbarrier.arrive $0xFFFF  }
0x7b: {  	p0 =	sne.s32 s0, $0x0;
	_ =	strace $0x9000004A  }
0x7c: {  	s0 =	sadd.s32 @!p0 $0x100000, s1;
	[bflag:$0x2] =	sbarrier.arrive $0xFFFF  }
0x7d: {  	[sflag:s0] =	ssyncadd.tile.s32 @!p0 $0x1;
	_ =	shalt  }
.Lfunc_end2:
_tile_overlayer_lowered:
.L_overlay_start_2:
0x7e: {  	(tag) =	ssettag $0x2  }
0x7f: {  	s0 =	rddreg [dreg:$0x0];
	s2 =	stileid.u32  }
0x80: {  	s1 =	rddreg [dreg:$0x1];
	p0 =	sne.s32 s2, $0x0  }
0x81: {  	s3 =	rddreg [dreg:$0x2];
	[bflag:$0x3] =	sbarrier.arrive $0xFFFF;
	s2 =	simm.s32 @!p0 $0x1C01  }
0x82: {  	[timem:s3], [sflag:s2] =	dma.local @!p0 [hbm:s0], s1  }
0x83: {  	s0 =	simm.s32 @!p0 $0x1  }
0x84: {  	_ =	swait.ge @!p0 [sflag:s0], s1  }
0x85: {  	s1 =	ssub.s32 @!p0 $0x0, s1;
	[sflag:s0] =	ssyncset.done @!p0 $0x0  }
0x86: {  	[sflag:s0] =	ssyncadd.s32 @!p0 s1  }
0x87: {  	[bflag:$0x3] =	sbarrier.arrive $0xFFFF  }
0x88: {  	_ =	shalt  }

// kernel: kernel.14.cloned.1.call-start
scs
__scs_entry_jumppad:
0x0: {  	(pc) =	sbr.rel $0x88, $3  }
0x1: {  	(tag) =	ssettag $0x0;
	lr =	simm.s32 $0x1  }
0x2: {  	[smem:$0x3F94] =	sst lr;
	_ =	strace $0xD0000000  }
0x3: {  	_ = 	snop  }
0x4: {  	_ = 	snop  }
0x5: {  	_ = 	snop  }
0x6: {  	_ = 	snop  }
0x7: {  	_ = 	snop  }
__scs_overlays_trampoline_lowered:
0x8: {  	[smem:$0x3FA3] =	sst s0  }
0x9: {  	[smem:$0x3FA4] =	sst s1  }
0xa: {  	[smem:$0x3FA5] =	sst s2  }
0xb: {  	[smem:$0x3FA6] =	sst s3  }
0xc: {  	[smem:$0x3FA7] =	sst s4  }
0xd: {  	[smem:$0x3FA8] =	sst s5  }
0xe: {  	[smem:$0x3FA9] =	sst s6  }
0xf: {  	[smem:$0x3FAA] =	sst s7  }
0x10: {  	[smem:$0x3FAB] =	sst s8  }
0x11: {  	[smem:$0x3FAC] =	sst s9;
	s0 =	simm.s32 @!p0 $0x0  }
0x12: {  	s1 =	sld [smem:$0x3F92];
	s0 =	simm.s32 @p0 $0x1  }
0x13: {  	[smem:$0x3FAD] =	sst s0;
	s0 =	simm.s32 @!p1 $0x0  }
0x14: {  	s2 =	sld [smem:$0x3F91];
	s0 =	simm.s32 @p1 $0x1  }
0x15: {  	[smem:$0x3FAE] =	sst s0;
	s0 =	simm.s32 @!p2 $0x0  }
0x16: {  	s3 =	sld [smem:$0x3FDB];
	s0 =	simm.s32 @p2 $0x1  }
0x17: {  	s4 =	simm.s32 $0x1BF5;
	[smem:$0x3FB0] =	sst s0  }
0x18: {  	s0 =	sld [smem:$0x3F93];
	_ =	swait.ge [sflag:s4], $0x0  }
0x19: {  	s7 =	sld [smem:$0x3F94]  }
0x1a: {  	s8 =	sadd.s32 $0xFFFFE003, lr  }
0x1b: {  	s9 =	sadd.s32 $0xFFFFFEF7, lr;
	s5 =	simm.s32 $0xFFFFFFFF;
	p2 =	slt.u32 s8, $0xFFFFF086  }
0x1c: {  	p1 =	slt.u32 s9, $0xF7A;
	s5 =	simm.s32 @!p2 $0x0  }
0x1d: {  	s5 =	simm.s32 @p1 $0x1;
	p0 =	seq.s32 s7, s2  }
0x1e: {  	s7 =	smul.u32 @!p0 $0xF7A, s2;
	p2 =	seq.s32 @!p0 s5, $0x0  }
0x1f: {  	s9 =	smul.u32 $0xF7A, s1;
	s8 =	simm.s32 @!p0 $0x1BF5;
	p2 =	por !p2, p0  }
0x20: {  	[sflag:s8] =	ssyncset.s32 @!p0 $0xFFFFF086;
	s6 =	sadd.s32 @!p0 s3, s7;
	s7 =	simm.s32 @!p0 $0x108  }
0x21: {  	s3 =	sadd.s32 s3, s9;
	s6 =	sadd.s32 @!p0 $0x88, s6;
	s7 =	simm.s32 @p2 $0x1082  }
0x22: {  	[simem:s7], [sflag:s8] =	dma.local @!p0 [hbm:s6], $0xF7A  }
0x23: {  	s9 =	sor.u32 $0xD0000000, s2;
	s6 =	simm.s32 $0x108;
	_ =	swait.ge @!p0 [sflag:s8], $0x0  }
0x24: {  	s3 =	sadd.s32 $0x88, s3;
	s6 =	simm.s32 @!p1 $0x1082;
	[sflag:s4] =	ssyncset.s32 $0xFFFFF086  }
0x25: {  	[simem:s6], [sflag:s4] =	dma.local [hbm:s3], $0xF7A  }
0x26: {  	[smem:$0x3F94] =	sst s1;
	(tag) =	ssettag s2;
	_ =	strace s9  }
0x27: {  	s1 =	sld [smem:$0x3FA4]  }
0x28: {  	s2 =	sld [smem:$0x3FA5]  }
0x29: {  	s4 =	sld [smem:$0x3FA7]  }
0x2a: {  	p0 =	seq.s32 s5, $0x0;
	s5 =	sld [smem:$0x3FA8]  }
0x2b: {  	s6 =	sld [smem:$0x3FA9]  }
0x2c: {  	s7 =	sld [smem:$0x3FAA]  }
0x2d: {  	s3 =	simm.s32 $0x108;
	s8 =	sld [smem:$0x3FAB]  }
0x2e: {  	s3 =	simm.s32 @!p0 $0x1082;
	s9 =	sld [smem:$0x3FAC]  }
0x2f: {  	lr =	sadd.s32 s0, s3;
	s0 =	sld [smem:$0x3FA3]  }
0x30: {  	s3 =	sld [smem:$0x3FA6]  }
0x31: {  	[smem:$0x3FAF] =	sst s10  }
0x32: {  	s10 =	sld [smem:$0x3FAD];
	_ =	sdelay $0x3  }
0x33: {  	p0 =	seq.s32 s10, $0x1;
	s10 =	sld [smem:$0x3FAF];
	_ =	sdelay $0x3  }
0x34: {  	[smem:$0x3FAF] =	sst s10  }
0x35: {  	s10 =	sld [smem:$0x3FAE];
	_ =	sdelay $0x3  }
0x36: {  	p1 =	seq.s32 s10, $0x1;
	s10 =	sld [smem:$0x3FAF];
	_ =	sdelay $0x3  }
0x37: {  	[smem:$0x3FAF] =	sst s10  }
0x38: {  	s10 =	sld [smem:$0x3FB0]  }
0x39: {  	_ = 	snop;
	(pc) =	sbr.ind lr, $3  }
0x3a: {  	_ = 	snop  }
0x3b: {  	_ = 	snop  }
0x3c: {  	p2 =	seq.s32 s10, $0x1;
	s10 =	sld [smem:$0x3FAF]  }
0x3d: {  	_ =	shalt  }
0x3e: {  	_ =	shalt  }
0x3f: {  	_ =	shalt  }
0x40: {  	_ =	shalt  }
0x41: {  	_ =	shalt  }
0x42: {  	_ =	shalt  }
0x43: {  	_ =	shalt  }
0x44: {  	_ =	shalt  }
0x45: {  	_ =	shalt  }
0x46: {  	_ =	shalt  }
0x47: {  	_ =	shalt  }
0x48: {  	_ =	shalt  }
0x49: {  	_ =	shalt  }
0x4a: {  	_ =	shalt  }
0x4b: {  	_ =	shalt  }
0x4c: {  	_ =	shalt  }
0x4d: {  	_ =	shalt  }
0x4e: {  	_ =	shalt  }
0x4f: {  	_ =	shalt  }
0x50: {  	_ =	shalt  }
0x51: {  	_ =	shalt  }
0x52: {  	_ =	shalt  }
0x53: {  	_ =	shalt  }
0x54: {  	_ =	shalt  }
0x55: {  	_ =	shalt  }
0x56: {  	_ =	shalt  }
0x57: {  	_ =	shalt  }
0x58: {  	_ =	shalt  }
0x59: {  	_ =	shalt  }
0x5a: {  	_ =	shalt  }
0x5b: {  	_ =	shalt  }
0x5c: {  	_ =	shalt  }
0x5d: {  	_ =	shalt  }
0x5e: {  	_ =	shalt  }
0x5f: {  	_ =	shalt  }
0x60: {  	_ =	shalt  }
0x61: {  	_ =	shalt  }
0x62: {  	_ =	shalt  }
0x63: {  	_ =	shalt  }
0x64: {  	_ =	shalt  }
0x65: {  	_ =	shalt  }
0x66: {  	_ =	shalt  }
0x67: {  	_ =	shalt  }
0x68: {  	_ =	shalt  }
0x69: {  	_ =	shalt  }
0x6a: {  	_ =	shalt  }
0x6b: {  	_ =	shalt  }
0x6c: {  	_ =	shalt  }
0x6d: {  	_ =	shalt  }
0x6e: {  	_ =	shalt  }
0x6f: {  	_ =	shalt  }
0x70: {  	_ =	shalt  }
0x71: {  	_ =	shalt  }
0x72: {  	_ =	shalt  }
0x73: {  	_ =	shalt  }
0x74: {  	_ =	shalt  }
0x75: {  	_ =	shalt  }
0x76: {  	_ =	shalt  }
0x77: {  	_ =	shalt  }
0x78: {  	_ =	shalt  }
0x79: {  	_ =	shalt  }
0x7a: {  	_ =	shalt  }
0x7b: {  	_ =	shalt  }
0x7c: {  	_ =	shalt  }
0x7d: {  	_ =	shalt  }
0x7e: {  	_ =	shalt  }
0x7f: {  	_ =	shalt  }
0x80: {  	_ =	shalt  }
0x81: {  	_ =	shalt  }
0x82: {  	_ =	shalt  }
0x83: {  	_ =	shalt  }
0x84: {  	_ =	shalt  }
0x85: {  	_ =	shalt  }
0x86: {  	_ =	shalt  }
0x87: {  	_ =	shalt  }
.Lfunc_end0:
.L_simem_size_0:
called_computation.2_lowered:
.L_overlay_start_0:
0x88: {  	s2 =	sld [smem:$0x3FD9]  }
0x89: {  	s3 =	sld [smem:$0x3FFE];
	_ =	sdelay $0x1  }
0x8a: {  	s1 =	srdreg.scid  }
0x8b: {  	s0 =	sand.u32 $0x1, s1  }
0x8c: {  	s16 =	sshll.u32 s0, $0xA;
	s2 =	sadd.s32 s3, s2  }
0x8d: {  	s2 =	sadd.s32 s2, s16  }
0x8e: {  	[smem:$0x3FBB] =	sst s2  }
0x8f: {  	_ = 	snop  }
0x90: {  	(tm) =	ssettm $0x1  }
0x91: {  	s17 =	sld [smem:$0x3FFB];
	_ =	sdelay $0x3  }
0x92: {  	_ =	strace s17  }
0x93: {  	s2 =	sld [smem:$0x3FFC];
	_ =	sdelay $0x3  }
0x94: {  	_ =	strace s2  }
0x95: {  	s2 =	sld [smem:$0x3FFD];
	_ =	sdelay $0x3  }
0x96: {  	_ =	strace s2  }
0x97: {  	_ =	strace $0x8FFFFFFF  }
0x98: {  	s18 =	sld [smem:$0x3FDB];
	_ =	sdelay $0x1  }
0x99: {  	s19 =	simm.s32 $_scs_section_size  }
0x9a: {  	s4 =	simm.s32 $_size__tile_overlayer_lowered;
	s5 =	simm.s32 $_tile_overlayer_lowered  }
0x9b: {  	s22 =	simm.s32 $0x1BFF;
	s21 =	sshll.u32 s5, $0x1;
	s2 =	sadd.s32 s19, s18  }
0x9c: {  	s6 =	simm.s32 $0x0;
	s20 =	sshll.u32 s4, $0x1;
	s4 =	sadd.s32 s21, s2  }
0x9d: {  	[timem:s6], [sflag:s22] =	dma.local [hbm:s4], s20  }
0x9e: {  	_ =	swait.ge [sflag:s22], s20  }
0x9f: {  	s3 =	ssub.s32 $0x0, s20;
	[sflag:s22] =	ssyncset.done $0x0  }
0xa0: {  	[sflag:s22] =	ssyncadd.s32 s3;
	_ =	sdelay $0x1  }
0xa1: {  	s23 =	simm.s32 $0x1B8B  }
0xa2: {  	_ =	swait.ge [sflag:s23], $0x1  }
0xa3: {  	[sflag:s23] =	ssyncset.done $0x0  }
0xa4: {  	s25 =	simm.s32 $0x1B8E;
	s24 =	sld [smem:$0x3FFE];
	[sflag:s23] =	ssyncadd.s32 $0xFFFFFFFF  }
0xa5: {  	s26 =	simm.s32 $execute0_lowered;
	[smem:$0x3FD2] =	sst s25  }
0xa6: {  	s4 =	sshll.u32 s26, $0x1;
	_ =	strace $0x8000004C;
	[dreg:$0x1] =	wrdreg $0xFFFFFFFF  }
0xa7: {  	s28 =	simm.s32 $_size_execute0_lowered;
	s2 =	sadd.s32 s2, s4;
	[dreg:$0x0] =	wrdreg $0x0  }
0xa8: {  	s4 =	sshll.u32 s28, $0x1;
	[dreg:$0x2] =	wrdreg s2  }
0xa9: {  	[dreg:$0x3] =	wrdreg s4  }
0xaa: {  	[dreg:$0x4] =	wrdreg $0xC0  }
0xab: {  	_ =	task [dreg:s6], $0x5FFFF  }
0xac: {  	[dreg:$0x1] =	wrdreg $0xFFFFFFFF  }
0xad: {  	[dreg:$0x0] =	wrdreg $0x60  }
0xae: {  	[dreg:$0x2] =	wrdreg s24  }
0xaf: {  	[dreg:$0x3] =	wrdreg $0x29000  }
0xb0: {  	[dreg:$0x4] =	wrdreg $0x9  }
0xb1: {  	_ =	task.clear_ibuf [dreg:s6], $0x5FFFF;
	_ =	strace $0x9000004C  }
0xb2: {  	s29 =	simm.s32 $0x9;
	_ =	strace $0x8000004E  }
0xb3: {  	_ =	swait.ge [sflag:s29], $0x1  }
0xb4: {  	[sflag:s29] =	ssyncadd.s32 $0xFFFFFFFF  }
0xb5: {  	_ =	strace $0x9000004E  }
0xb6: {  	_ =	sfence  }
0xb7: {  	s30 =	sld [smem:$0x0];
	_ =	sdelay $0x2  }
0xb8: {  	s31 =	sshll.u32 s1, $0xD;
	s1 =	sshrl.u32 s1, $0x2  }
0xb9: {  	s3 =	sand.u32 $0x4000, s31;
	s1 =	sadd.s32 s1, s30  }
0xba: {  	s0 =	sor.u32 s3, s0;
	s1 =	sshll.u32 s1, $0x11  }
0xbb: {  	s0 =	sor.u32 s1, s0  }
0xbc: {  	s0 =	sadd.s32 $0x8F2B, s0  }
0xbd: {  	[sflag:s0] =	ssyncadd.remote.s32 $0x1  }
0xbe: {  	_ =	sfence.sel $0xFFFF  }
0xbf: {  	[dreg:$0x0] =	wrdreg $0xFFFFFFFF;
	(pc) =	sbr.abs _section_cstart, $3  }
0xc0: {  	[dreg:$0x1] =	wrdreg $0xFFFFFFFF  }
0xc1: {  	_ =	task.clear_ibuf [dreg:s6], $0x2FFFF;
	_ =	strace $0x9FFFFFFF  }
0xc2: {  	(tm) =	ssettm $0x7FFFFFFF  }
0xc3: {  	_ =	shalt  }
tec
execute0_lowered:
.L_overlay_start_1:
0x0: {  	(tag) =	ssettag $0x1  }
0x1: {  	s5 =	rddreg [dreg:$0x0]  }
0x2: {  	s2 =	rddreg [dreg:$0x1]  }
0x3: {  	s0 =	srdreg.scid;
	s1 =	rddreg [dreg:$0x2]  }
0x4: {  	s3 =	simm.s32 $0x0;
	s17 =	simm.s32 $0x100;
	s6 =	sand.u32 $0x1, s0  }
0x5: {  	s18 =	simm.s32 $0x1;
	s0 =	stileid.u32;
	s4 =	smul.u32 $0x27100, s6  }
0x6: {  	s19 =	simm.s32 $0x80;
	s20 =	simm.s32 $0x50;
	s7 =	smul.u32 $0x2710, s0  }
0x7: {  	s22 =	simm.s32 $0x0;
	[smem:$0x7FF] =	sst s3;
	s8 =	smul.u32 $0x28000, s6  }
0x8: {  	s29 =	smul.u32 $0x2800, s0;
	_ =	strace $0x8000004D;
	s6 =	ssub.s32 $0x2, s6  }
0x9: {  	s10 =	smul.u32 $0x50000, s0;
	s21 =	sshll.u32 s0, $0x6;
	s30 =	sshrl.u32 s6, $0x1  }
0xa: {  	s21 =	sor.u32 $0x1C01, s21;
	s4 =	sadd.s32 s7, s4;
	s7 =	sadd.s32 s29, s8  }
0xb: {  	s31 =	sshrl.u32 s10, $0x2;
	s8 =	ssub.s32 s6, s30;
	s9 =	sshrl.u32 s4, $0x3  }
0xc: {  	s4 =	sadd.s32 $0x17400, s5;
	s7 =	sadd.s32 s7, s5;
	s16 =	sadd.s32 s9, s5  }
0xd: {  	s5 =	sadd.s32 s31, s2;
	s6 =	sadd.s32 $0x8CA00, s7;
	s7 =	smax.u32 s8, $0x1  }
0xe: {  	s8 =	sadd.s32 $0x2800, s5;
	s9 =	sadd.s32 $0x5000, s5;
	s10 =	sadd.s32 $0x7800, s5  }
0xf: {  	s11 =	sadd.s32 $0xA000, s5;
	s12 =	sadd.s32 $0xC800, s5;
	s13 =	sadd.s32 $0xF000, s5  }
0x10: {  	v0 =	vimm.f32 $0.0e+00;
	s14 =	sadd.s32 $0x11800, s5;
	s15 =	sadd.s32 $0xD600, s16;
	s16 =	sadd.s32 $0x3800, s16  }
.LBB2_1:
0x11: {  	s23 =	simm.s32 $0x70;
	s24 =	simm.s32 $0x3C0  }
.LBB2_2:
0x12: {  	p0 =	sne.s32 s24, $0x9FC0;
	[tilespmem:s23+$0x100] =	vst v0  }
0x13: {  	[tilespmem:s23+$0x90] =	vst v0  }
0x14: {  	[tilespmem:s23+$0xA0] =	vst v0  }
.Ltmp0:
0x15: {  	[tilespmem:s23+$0xB0] =	vst v0;
	(pc) =	sbr.rel @p0 .LBB2_2-.Ltmp0, $4  }
0x16: {  	[tilespmem:s23+$0xC0] =	vst v0  }
0x17: {  	[tilespmem:s23+$0xD0] =	vst v0  }
0x18: {  	[tilespmem:s23+$0xE0] =	vst v0  }
0x19: {  	[tilespmem:s23+$0xF0] =	vst v0;
	s23 =	sshra.s32 s24, $0x2;
	s24 =	sadd.s32 $0x200, s24  }
0x1a: {  	[tilespmem:s23+$0x100] =	vst v0  }
0x1b: {  	[tilespmem:s23+$0x90] =	vst v0  }
0x1c: {  	[tilespmem:s23+$0xA0] =	vst v0  }
0x1d: {  	[tilespmem:s23+$0xB0] =	vst v0  }
0x1e: {  	[tilespmem:s23+$0xC0] =	vst v0  }
0x1f: {  	[tilespmem:s23+$0xD0] =	vst v0  }
0x20: {  	[tilespmem:s23+$0xE0] =	vst v0  }
0x21: {  	[tilespmem:s23+$0xF0] =	vst v0  }
0x22: {  	[spmem:s5] =	stream.linear.scatter [tilespmem:s17], [sflag:$0x1], $0x2800, $0x38;
	[tilespmem:$0x16900] =	vst v63  }
0x23: {  	_ =	swait.ge [sflag:s18], $0x2800  }
0x24: {  	[sflag:s18] =	ssyncset.done $0x0  }
0x25: {  	[sflag:s18] =	ssyncadd.s32 $0xFFFFD800  }
0x26: {  	[spmem:s8] =	stream.linear.scatter [tilespmem:s17], [sflag:$0x1], $0x2800, $0x38;
	[tilespmem:$0x16900] =	vst v63  }
0x27: {  	_ =	swait.ge [sflag:s18], $0x2800  }
0x28: {  	[sflag:s18] =	ssyncset.done $0x0  }
0x29: {  	[sflag:s18] =	ssyncadd.s32 $0xFFFFD800  }
0x2a: {  	[spmem:s9] =	stream.linear.scatter [tilespmem:s17], [sflag:$0x1], $0x2800, $0x38;
	[tilespmem:$0x16900] =	vst v63  }
0x2b: {  	_ =	swait.ge [sflag:s18], $0x2800  }
0x2c: {  	[sflag:s18] =	ssyncset.done $0x0  }
0x2d: {  	[sflag:s18] =	ssyncadd.s32 $0xFFFFD800  }
0x2e: {  	[spmem:s10] =	stream.linear.scatter [tilespmem:s17], [sflag:$0x1], $0x2800, $0x38;
	[tilespmem:$0x16900] =	vst v63  }
0x2f: {  	_ =	swait.ge [sflag:s18], $0x2800  }
0x30: {  	[sflag:s18] =	ssyncset.done $0x0  }
0x31: {  	[sflag:s18] =	ssyncadd.s32 $0xFFFFD800  }
0x32: {  	[spmem:s11] =	stream.linear.scatter [tilespmem:s17], [sflag:$0x1], $0x2800, $0x38;
	[tilespmem:$0x16900] =	vst v63  }
0x33: {  	_ =	swait.ge [sflag:s18], $0x2800  }
0x34: {  	[sflag:s18] =	ssyncset.done $0x0  }
0x35: {  	[sflag:s18] =	ssyncadd.s32 $0xFFFFD800  }
0x36: {  	[spmem:s12] =	stream.linear.scatter [tilespmem:s17], [sflag:$0x1], $0x2800, $0x38;
	[tilespmem:$0x16900] =	vst v63  }
0x37: {  	_ =	swait.ge [sflag:s18], $0x2800  }
0x38: {  	[sflag:s18] =	ssyncset.done $0x0  }
0x39: {  	[sflag:s18] =	ssyncadd.s32 $0xFFFFD800  }
0x3a: {  	[spmem:s13] =	stream.linear.scatter [tilespmem:s17], [sflag:$0x1], $0x2800, $0x38;
	[tilespmem:$0x16900] =	vst v63  }
0x3b: {  	_ =	swait.ge [sflag:s18], $0x2800  }
0x3c: {  	[sflag:s18] =	ssyncset.done $0x0  }
0x3d: {  	[sflag:s18] =	ssyncadd.s32 $0xFFFFD800  }
0x3e: {  	[spmem:s14] =	stream.linear.scatter [tilespmem:s17], [sflag:$0x1], $0x2800, $0x38;
	[tilespmem:$0x16900] =	vst v63  }
0x3f: {  	_ =	swait.ge [sflag:s18], $0x2800  }
0x40: {  	[sflag:s18] =	ssyncset.done $0x0  }
0x41: {  	[sflag:s18] =	ssyncadd.s32 $0xFFFFD800  }
0x42: {  	s30 =	sadd.s32 $0x0, s16;
	[bflag:$0x0] =	sbarrier.arrive $0xFFFF  }
0x43: {  	[tilespmem:s3], [sflag:$0x1] =	stream.linear.gather [hbm4b:s30+s3], $0x50, $0x38;
	[tilespmem:$0x16900] =	vst v63  }
0x44: {  	_ =	swait.ge [sflag:s18], $0x50  }
0x45: {  	[sflag:s18] =	ssyncset.done $0x0  }
0x46: {  	s31 =	sadd.s32 $0x0, s15;
	[sflag:s18] =	ssyncadd.s32 $0xFFFFFFB0  }
0x47: {  	[tilespmem:s19], [sflag:$0x1] =	stream.linear.gather [hbm4b:s31+s3], $0x50, $0x38;
	[tilespmem:$0x16900] =	vst v63  }
0x48: {  	_ =	swait.ge [sflag:s18], $0x50  }
0x49: {  	[sflag:s18] =	ssyncset.done $0x0  }
0x4a: {  	[sflag:s18] =	ssyncadd.s32 $0xFFFFFFB0  }
0x4b: {  	[tilespmem:s17], [sflag:$0x1] =	stream.indirect.gather [hbm4b:s4+s20], $0x80, s3, s20, $0xb8;
	[tilespmem:$0x16900] =	vst v63  }
0x4c: {  	_ =	swait.ge [sflag:s18], $0x2800  }
0x4d: {  	[sflag:s18] =	ssyncset.done $0x0  }
0x4e: {  	[sflag:s18] =	ssyncadd.s32 $0xFFFFD800  }
0x4f: {  	[spmem:s2] =	stream.indirect.scatter.add.f32 [tilespmem:s17], [sflag:$0x1], $0x80, s19, s20, $0xb8;
	[tilespmem:$0x16900] =	vst v63  }
0x50: {  	_ =	swait.ge [sflag:s18], $0x2800  }
0x51: {  	s23 =	simm.s32 $0xA;
	s24 =	simm.s32 $0x14;
	[sflag:s18] =	ssyncset.done $0x0  }
.LBB2_4:
0x52: {  	s25 =	sadd.s32 s23, s16  }
0x53: {  	[sflag:s18] =	ssyncadd.s32 $0xFFFFD800;
	s26 =	smov.u32 s24;
	s28 =	sadd.s32 $0xA, s24  }
0x54: {  	[tilespmem:s3], [sflag:$0x1] =	stream.linear.gather [hbm4b:s25+s3], $0x50, $0x38;
	[tilespmem:$0x16900] =	vst v63  }
0x55: {  	p0 =	sne.s32 s24, $0x4D8;
	_ =	swait.ge [sflag:s18], $0x50  }
0x56: {  	[sflag:s18] =	ssyncset.done $0x0  }
0x57: {  	s24 =	sadd.s32 s23, s15;
	s23 =	smov.u32 s26;
	[sflag:s18] =	ssyncadd.s32 $0xFFFFFFB0  }
0x58: {  	[tilespmem:s19], [sflag:$0x1] =	stream.linear.gather [hbm4b:s24+s3], $0x50, $0x38;
	[tilespmem:$0x16900] =	vst v63  }
0x59: {  	_ =	swait.ge [sflag:s18], $0x50  }
0x5a: {  	[sflag:s18] =	ssyncset.done $0x0  }
0x5b: {  	[sflag:s18] =	ssyncadd.s32 $0xFFFFFFB0  }
0x5c: {  	[tilespmem:s17], [sflag:$0x1] =	stream.indirect.gather [hbm4b:s4+s20], $0x80, s3, s20, $0xb8;
	[tilespmem:$0x16900] =	vst v63  }
0x5d: {  	_ =	swait.ge [sflag:s18], $0x2800  }
.Ltmp1:
0x5e: {  	[sflag:s18] =	ssyncset.done $0x0;
	(pc) =	sbr.rel @p0 .LBB2_4-.Ltmp1, $4  }
0x5f: {  	[sflag:s18] =	ssyncadd.s32 $0xFFFFD800  }
0x60: {  	[spmem:s2] =	stream.indirect.scatter.add.f32 [tilespmem:s17], [sflag:$0x1], $0x80, s19, s20, $0xb8;
	[tilespmem:$0x16900] =	vst v63  }
0x61: {  	_ =	swait.ge [sflag:s18], $0x2800  }
0x62: {  	s24 =	smov.u32 s28;
	[sflag:s18] =	ssyncset.done $0x0  }
0x63: {  	s24 =	sadd.s32 s23, s16;
	[sflag:s18] =	ssyncadd.s32 $0xFFFFD800  }
0x64: {  	[tilespmem:s3], [sflag:$0x1] =	stream.linear.gather [hbm4b:s24+s3], $0x50, $0x38;
	[tilespmem:$0x16900] =	vst v63  }
0x65: {  	_ =	swait.ge [sflag:s18], $0x50  }
0x66: {  	[sflag:s18] =	ssyncset.done $0x0  }
0x67: {  	s30 =	sadd.s32 s23, s15;
	[sflag:s18] =	ssyncadd.s32 $0xFFFFFFB0  }
0x68: {  	[tilespmem:s19], [sflag:$0x1] =	stream.linear.gather [hbm4b:s30+s3], $0x50, $0x38;
	[tilespmem:$0x16900] =	vst v63  }
0x69: {  	_ =	swait.ge [sflag:s18], $0x50  }
0x6a: {  	[sflag:s18] =	ssyncset.done $0x0  }
0x6b: {  	[sflag:s18] =	ssyncadd.s32 $0xFFFFFFB0  }
0x6c: {  	[tilespmem:s17], [sflag:$0x1] =	stream.indirect.gather [hbm4b:s4+s20], $0x80, s3, s20, $0xb8;
	[tilespmem:$0x16900] =	vst v63  }
0x6d: {  	_ =	swait.ge [sflag:s18], $0x2800  }
0x6e: {  	[sflag:s18] =	ssyncset.done $0x0  }
0x6f: {  	[sflag:s18] =	ssyncadd.s32 $0xFFFFD800  }
0x70: {  	[spmem:s2] =	stream.indirect.scatter.add.f32 [tilespmem:s17], [sflag:$0x1], $0x80, s19, s20, $0xb8;
	[tilespmem:$0x16900] =	vst v63  }
0x71: {  	_ =	swait.ge [sflag:s18], $0x2800  }
0x72: {  	s22 =	sadd.s32 $0x1, s22;
	[sflag:s18] =	ssyncset.done $0x0  }
0x73: {  	p0 =	sne.s32 s22, s7;
	[sflag:s18] =	ssyncadd.s32 $0xFFFFD800  }
.Ltmp2:
0x74: {  	s31 =	sshrl.u32 s5, $0x3;
	[bflag:$0x0] =	sbarrier.arrive $0xFFFF;
	(pc) =	sbr.rel @p0 .LBB2_1-.Ltmp2, $4  }
0x75: {  	[hbm:s6], [sflag:s21] =	dma.local [spmem:s31], $0x2800  }
0x76: {  	_ =	swait.ge [sflag:s18], $0x2800  }
0x77: {  	[sflag:s18] =	ssyncset.done $0x0  }
0x78: {  	[sflag:s18] =	ssyncadd.s32 $0xFFFFD800  }
0x79: {  	_ =	sfence.sel $0x180000  }
0x7a: {  	[bflag:$0x0] =	sbarrier.arrive $0xFFFF  }
0x7b: {  	p0 =	sne.s32 s0, $0x0;
	_ =	strace $0x9000004D  }
0x7c: {  	s0 =	sadd.s32 @!p0 $0x100000, s1;
	[bflag:$0x2] =	sbarrier.arrive $0xFFFF  }
0x7d: {  	[sflag:s0] =	ssyncadd.tile.s32 @!p0 $0x1;
	_ =	shalt  }
.Lfunc_end2:
_tile_overlayer_lowered:
.L_overlay_start_2:
0x7e: {  	(tag) =	ssettag $0x2  }
0x7f: {  	s0 =	rddreg [dreg:$0x0];
	s2 =	stileid.u32  }
0x80: {  	s1 =	rddreg [dreg:$0x1];
	p0 =	sne.s32 s2, $0x0  }
0x81: {  	s3 =	rddreg [dreg:$0x2];
	[bflag:$0x3] =	sbarrier.arrive $0xFFFF;
	s2 =	simm.s32 @!p0 $0x1C01  }
0x82: {  	[timem:s3], [sflag:s2] =	dma.local @!p0 [hbm:s0], s1  }
0x83: {  	s0 =	simm.s32 @!p0 $0x1  }
0x84: {  	_ =	swait.ge @!p0 [sflag:s0], s1  }
0x85: {  	s1 =	ssub.s32 @!p0 $0x0, s1;
	[sflag:s0] =	ssyncset.done @!p0 $0x0  }
0x86: {  	[sflag:s0] =	ssyncadd.s32 @!p0 s1  }
0x87: {  	[bflag:$0x3] =	sbarrier.arrive $0xFFFF  }
0x88: {  	_ =	shalt  }

// kernel: kernel.8.cloned.1.call-start
scs
__scs_entry_jumppad:
0x0: {  	(pc) =	sbr.rel $0x88, $3  }
0x1: {  	(tag) =	ssettag $0x0;
	lr =	simm.s32 $0x1  }
0x2: {  	[smem:$0x3F94] =	sst lr;
	_ =	strace $0xD0000000  }
0x3: {  	_ = 	snop  }
0x4: {  	_ = 	snop  }
0x5: {  	_ = 	snop  }
0x6: {  	_ = 	snop  }
0x7: {  	_ = 	snop  }
__scs_overlays_trampoline_lowered:
0x8: {  	[smem:$0x3FA3] =	sst s0  }
0x9: {  	[smem:$0x3FA4] =	sst s1  }
0xa: {  	[smem:$0x3FA5] =	sst s2  }
0xb: {  	[smem:$0x3FA6] =	sst s3  }
0xc: {  	[smem:$0x3FA7] =	sst s4  }
0xd: {  	[smem:$0x3FA8] =	sst s5  }
0xe: {  	[smem:$0x3FA9] =	sst s6  }
0xf: {  	[smem:$0x3FAA] =	sst s7  }
0x10: {  	[smem:$0x3FAB] =	sst s8  }
0x11: {  	[smem:$0x3FAC] =	sst s9;
	s0 =	simm.s32 @!p0 $0x0  }
0x12: {  	s1 =	sld [smem:$0x3F92];
	s0 =	simm.s32 @p0 $0x1  }
0x13: {  	[smem:$0x3FAD] =	sst s0;
	s0 =	simm.s32 @!p1 $0x0  }
0x14: {  	s2 =	sld [smem:$0x3F91];
	s0 =	simm.s32 @p1 $0x1  }
0x15: {  	[smem:$0x3FAE] =	sst s0;
	s0 =	simm.s32 @!p2 $0x0  }
0x16: {  	s3 =	sld [smem:$0x3FDB];
	s0 =	simm.s32 @p2 $0x1  }
0x17: {  	s4 =	simm.s32 $0x1BF5;
	[smem:$0x3FB0] =	sst s0  }
0x18: {  	s0 =	sld [smem:$0x3F93];
	_ =	swait.ge [sflag:s4], $0x0  }
0x19: {  	s7 =	sld [smem:$0x3F94]  }
0x1a: {  	s8 =	sadd.s32 $0xFFFFE003, lr  }
0x1b: {  	s9 =	sadd.s32 $0xFFFFFEF7, lr;
	s5 =	simm.s32 $0xFFFFFFFF;
	p2 =	slt.u32 s8, $0xFFFFF086  }
0x1c: {  	p1 =	slt.u32 s9, $0xF7A;
	s5 =	simm.s32 @!p2 $0x0  }
0x1d: {  	s5 =	simm.s32 @p1 $0x1;
	p0 =	seq.s32 s7, s2  }
0x1e: {  	s7 =	smul.u32 @!p0 $0xF7A, s2;
	p2 =	seq.s32 @!p0 s5, $0x0  }
0x1f: {  	s9 =	smul.u32 $0xF7A, s1;
	s8 =	simm.s32 @!p0 $0x1BF5;
	p2 =	por !p2, p0  }
0x20: {  	[sflag:s8] =	ssyncset.s32 @!p0 $0xFFFFF086;
	s6 =	sadd.s32 @!p0 s3, s7;
	s7 =	simm.s32 @!p0 $0x108  }
0x21: {  	s3 =	sadd.s32 s3, s9;
	s6 =	sadd.s32 @!p0 $0x88, s6;
	s7 =	simm.s32 @p2 $0x1082  }
0x22: {  	[simem:s7], [sflag:s8] =	dma.local @!p0 [hbm:s6], $0xF7A  }
0x23: {  	s9 =	sor.u32 $0xD0000000, s2;
	s6 =	simm.s32 $0x108;
	_ =	swait.ge @!p0 [sflag:s8], $0x0  }
0x24: {  	s3 =	sadd.s32 $0x88, s3;
	s6 =	simm.s32 @!p1 $0x1082;
	[sflag:s4] =	ssyncset.s32 $0xFFFFF086  }
0x25: {  	[simem:s6], [sflag:s4] =	dma.local [hbm:s3], $0xF7A  }
0x26: {  	[smem:$0x3F94] =	sst s1;
	(tag) =	ssettag s2;
	_ =	strace s9  }
0x27: {  	s1 =	sld [smem:$0x3FA4]  }
0x28: {  	s2 =	sld [smem:$0x3FA5]  }
0x29: {  	s4 =	sld [smem:$0x3FA7]  }
0x2a: {  	p0 =	seq.s32 s5, $0x0;
	s5 =	sld [smem:$0x3FA8]  }
0x2b: {  	s6 =	sld [smem:$0x3FA9]  }
0x2c: {  	s7 =	sld [smem:$0x3FAA]  }
0x2d: {  	s3 =	simm.s32 $0x108;
	s8 =	sld [smem:$0x3FAB]  }
0x2e: {  	s3 =	simm.s32 @!p0 $0x1082;
	s9 =	sld [smem:$0x3FAC]  }
0x2f: {  	lr =	sadd.s32 s0, s3;
	s0 =	sld [smem:$0x3FA3]  }
0x30: {  	s3 =	sld [smem:$0x3FA6]  }
0x31: {  	[smem:$0x3FAF] =	sst s10  }
0x32: {  	s10 =	sld [smem:$0x3FAD];
	_ =	sdelay $0x3  }
0x33: {  	p0 =	seq.s32 s10, $0x1;
	s10 =	sld [smem:$0x3FAF];
	_ =	sdelay $0x3  }
0x34: {  	[smem:$0x3FAF] =	sst s10  }
0x35: {  	s10 =	sld [smem:$0x3FAE];
	_ =	sdelay $0x3  }
0x36: {  	p1 =	seq.s32 s10, $0x1;
	s10 =	sld [smem:$0x3FAF];
	_ =	sdelay $0x3  }
0x37: {  	[smem:$0x3FAF] =	sst s10  }
0x38: {  	s10 =	sld [smem:$0x3FB0]  }
0x39: {  	_ = 	snop;
	(pc) =	sbr.ind lr, $3  }
0x3a: {  	_ = 	snop  }
0x3b: {  	_ = 	snop  }
0x3c: {  	p2 =	seq.s32 s10, $0x1;
	s10 =	sld [smem:$0x3FAF]  }
0x3d: {  	_ =	shalt  }
0x3e: {  	_ =	shalt  }
0x3f: {  	_ =	shalt  }
0x40: {  	_ =	shalt  }
0x41: {  	_ =	shalt  }
0x42: {  	_ =	shalt  }
0x43: {  	_ =	shalt  }
0x44: {  	_ =	shalt  }
0x45: {  	_ =	shalt  }
0x46: {  	_ =	shalt  }
0x47: {  	_ =	shalt  }
0x48: {  	_ =	shalt  }
0x49: {  	_ =	shalt  }
0x4a: {  	_ =	shalt  }
0x4b: {  	_ =	shalt  }
0x4c: {  	_ =	shalt  }
0x4d: {  	_ =	shalt  }
0x4e: {  	_ =	shalt  }
0x4f: {  	_ =	shalt  }
0x50: {  	_ =	shalt  }
0x51: {  	_ =	shalt  }
0x52: {  	_ =	shalt  }
0x53: {  	_ =	shalt  }
0x54: {  	_ =	shalt  }
0x55: {  	_ =	shalt  }
0x56: {  	_ =	shalt  }
0x57: {  	_ =	shalt  }
0x58: {  	_ =	shalt  }
0x59: {  	_ =	shalt  }
0x5a: {  	_ =	shalt  }
0x5b: {  	_ =	shalt  }
0x5c: {  	_ =	shalt  }
0x5d: {  	_ =	shalt  }
0x5e: {  	_ =	shalt  }
0x5f: {  	_ =	shalt  }
0x60: {  	_ =	shalt  }
0x61: {  	_ =	shalt  }
0x62: {  	_ =	shalt  }
0x63: {  	_ =	shalt  }
0x64: {  	_ =	shalt  }
0x65: {  	_ =	shalt  }
0x66: {  	_ =	shalt  }
0x67: {  	_ =	shalt  }
0x68: {  	_ =	shalt  }
0x69: {  	_ =	shalt  }
0x6a: {  	_ =	shalt  }
0x6b: {  	_ =	shalt  }
0x6c: {  	_ =	shalt  }
0x6d: {  	_ =	shalt  }
0x6e: {  	_ =	shalt  }
0x6f: {  	_ =	shalt  }
0x70: {  	_ =	shalt  }
0x71: {  	_ =	shalt  }
0x72: {  	_ =	shalt  }
0x73: {  	_ =	shalt  }
0x74: {  	_ =	shalt  }
0x75: {  	_ =	shalt  }
0x76: {  	_ =	shalt  }
0x77: {  	_ =	shalt  }
0x78: {  	_ =	shalt  }
0x79: {  	_ =	shalt  }
0x7a: {  	_ =	shalt  }
0x7b: {  	_ =	shalt  }
0x7c: {  	_ =	shalt  }
0x7d: {  	_ =	shalt  }
0x7e: {  	_ =	shalt  }
0x7f: {  	_ =	shalt  }
0x80: {  	_ =	shalt  }
0x81: {  	_ =	shalt  }
0x82: {  	_ =	shalt  }
0x83: {  	_ =	shalt  }
0x84: {  	_ =	shalt  }
0x85: {  	_ =	shalt  }
0x86: {  	_ =	shalt  }
0x87: {  	_ =	shalt  }
.Lfunc_end0:
.L_simem_size_0:
called_computation_lowered:
.L_overlay_start_0:
0x88: {  	s2 =	sld [smem:$0x3FD9]  }
0x89: {  	s3 =	sld [smem:$0x3FFE];
	_ =	sdelay $0x1  }
0x8a: {  	s1 =	srdreg.scid  }
0x8b: {  	s0 =	sand.u32 $0x1, s1  }
0x8c: {  	s16 =	sshll.u32 s0, $0xA;
	s2 =	sadd.s32 s3, s2  }
0x8d: {  	s2 =	sadd.s32 s2, s16  }
0x8e: {  	[smem:$0x3FBB] =	sst s2  }
0x8f: {  	_ = 	snop  }
0x90: {  	(tm) =	ssettm $0x1  }
0x91: {  	s17 =	sld [smem:$0x3FFB];
	_ =	sdelay $0x3  }
0x92: {  	_ =	strace s17  }
0x93: {  	s2 =	sld [smem:$0x3FFC];
	_ =	sdelay $0x3  }
0x94: {  	_ =	strace s2  }
0x95: {  	s2 =	sld [smem:$0x3FFD];
	_ =	sdelay $0x3  }
0x96: {  	_ =	strace s2  }
0x97: {  	_ =	strace $0x8FFFFFFF  }
0x98: {  	s18 =	sld [smem:$0x3FDB];
	_ =	sdelay $0x1  }
0x99: {  	s19 =	simm.s32 $_scs_section_size  }
0x9a: {  	s4 =	simm.s32 $_size__tile_overlayer_lowered;
	s5 =	simm.s32 $_tile_overlayer_lowered  }
0x9b: {  	s22 =	simm.s32 $0x1BFF;
	s21 =	sshll.u32 s5, $0x1;
	s2 =	sadd.s32 s19, s18  }
0x9c: {  	s6 =	simm.s32 $0x0;
	s20 =	sshll.u32 s4, $0x1;
	s4 =	sadd.s32 s21, s2  }
0x9d: {  	[timem:s6], [sflag:s22] =	dma.local [hbm:s4], s20  }
0x9e: {  	_ =	swait.ge [sflag:s22], s20  }
0x9f: {  	s3 =	ssub.s32 $0x0, s20;
	[sflag:s22] =	ssyncset.done $0x0  }
0xa0: {  	[sflag:s22] =	ssyncadd.s32 s3;
	_ =	sdelay $0x1  }
0xa1: {  	s23 =	simm.s32 $0x1B8B  }
0xa2: {  	_ =	swait.ge [sflag:s23], $0x1  }
0xa3: {  	[sflag:s23] =	ssyncset.done $0x0  }
0xa4: {  	s25 =	simm.s32 $0x1B8E;
	s24 =	sld [smem:$0x3FFE];
	[sflag:s23] =	ssyncadd.s32 $0xFFFFFFFF  }
0xa5: {  	s26 =	simm.s32 $execute0_lowered;
	[smem:$0x3FD2] =	sst s25  }
0xa6: {  	s4 =	sshll.u32 s26, $0x1;
	_ =	strace $0x80000046;
	[dreg:$0x1] =	wrdreg $0xFFFFFFFF  }
0xa7: {  	s28 =	simm.s32 $_size_execute0_lowered;
	s2 =	sadd.s32 s2, s4;
	[dreg:$0x0] =	wrdreg $0x0  }
0xa8: {  	s4 =	sshll.u32 s28, $0x1;
	[dreg:$0x2] =	wrdreg s2  }
0xa9: {  	[dreg:$0x3] =	wrdreg s4  }
0xaa: {  	[dreg:$0x4] =	wrdreg $0xC0  }
0xab: {  	_ =	task [dreg:s6], $0x5FFFF  }
0xac: {  	[dreg:$0x1] =	wrdreg $0xFFFFFFFF  }
0xad: {  	[dreg:$0x0] =	wrdreg $0x60  }
0xae: {  	[dreg:$0x2] =	wrdreg s24  }
0xaf: {  	[dreg:$0x3] =	wrdreg $0x50800  }
0xb0: {  	[dreg:$0x4] =	wrdreg $0x9  }
0xb1: {  	_ =	task.clear_ibuf [dreg:s6], $0x5FFFF;
	_ =	strace $0x90000046  }
0xb2: {  	s29 =	simm.s32 $0x9;
	_ =	strace $0x80000048  }
0xb3: {  	_ =	swait.ge [sflag:s29], $0x1  }
0xb4: {  	[sflag:s29] =	ssyncadd.s32 $0xFFFFFFFF  }
0xb5: {  	_ =	strace $0x90000048  }
0xb6: {  	_ =	sfence  }
0xb7: {  	s30 =	sld [smem:$0x0];
	_ =	sdelay $0x2  }
0xb8: {  	s31 =	sshll.u32 s1, $0xD;
	s1 =	sshrl.u32 s1, $0x2  }
0xb9: {  	s3 =	sand.u32 $0x4000, s31;
	s1 =	sadd.s32 s1, s30  }
0xba: {  	s0 =	sor.u32 s3, s0;
	s1 =	sshll.u32 s1, $0x11  }
0xbb: {  	s0 =	sor.u32 s1, s0  }
0xbc: {  	s0 =	sadd.s32 $0x8F2B, s0  }
0xbd: {  	[sflag:s0] =	ssyncadd.remote.s32 $0x1  }
0xbe: {  	_ =	sfence.sel $0xFFFF  }
0xbf: {  	[dreg:$0x0] =	wrdreg $0xFFFFFFFF;
	(pc) =	sbr.abs _section_cstart, $3  }
0xc0: {  	[dreg:$0x1] =	wrdreg $0xFFFFFFFF  }
0xc1: {  	_ =	task.clear_ibuf [dreg:s6], $0x2FFFF;
	_ =	strace $0x9FFFFFFF  }
0xc2: {  	(tm) =	ssettm $0x7FFFFFFF  }
0xc3: {  	_ =	shalt  }
tec
execute0_lowered:
.L_overlay_start_1:
0x0: {  	(tag) =	ssettag $0x1  }
0x1: {  	s0 =	srdreg.scid;
	s4 =	rddreg [dreg:$0x0]  }
0x2: {  	s2 =	rddreg [dreg:$0x1];
	s5 =	sand.u32 $0x1, s0  }
0x3: {  	s0 =	stileid.u32;
	s6 =	smul.u32 $0x27100, s5  }
0x4: {  	s1 =	rddreg [dreg:$0x2];
	s3 =	simm.s32 $0x0;
	s7 =	smul.u32 $0x2710, s0  }
0x5: {  	s15 =	simm.s32 $0x2880;
	s16 =	simm.s32 $0x1;
	s8 =	smul.u32 $0x28000, s5  }
0x6: {  	s17 =	simm.s32 $0x50;
	s18 =	simm.s32 $0x80;
	s28 =	smul.u32 $0x2800, s0  }
0x7: {  	s21 =	simm.s32 $0x0;
	[smem:$0x7FF] =	sst s3;
	s9 =	smul.u32 $0x50000, s0  }
0x8: {  	_ =	strace $0x80000047;
	s5 =	ssub.s32 $0x2, s5;
	s19 =	sshll.u32 s0, $0x6  }
0x9: {  	s30 =	sshrl.u32 s5, $0x1;
	s19 =	sor.u32 $0x1C01, s19;
	s6 =	sadd.s32 s7, s6  }
0xa: {  	s29 =	sadd.s32 s28, s8;
	s31 =	sshrl.u32 s9, $0x2;
	s6 =	sshrl.u32 s6, $0x3  }
0xb: {  	s7 =	ssub.s32 s5, s30;
	s14 =	sadd.s32 s6, s4;
	s6 =	sadd.s32 s29, s4  }
0xc: {  	s4 =	sadd.s32 s31, s2;
	s5 =	sadd.s32 $0x17400, s6;
	s6 =	smax.u32 s7, $0x1  }
0xd: {  	s7 =	sadd.s32 $0x2800, s4;
	s8 =	sadd.s32 $0x5000, s4;
	s9 =	sadd.s32 $0x7800, s4  }
0xe: {  	s10 =	sadd.s32 $0xA000, s4;
	s11 =	sadd.s32 $0xC800, s4;
	s12 =	sadd.s32 $0xF000, s4  }
0xf: {  	v0 =	vimm.f32 $1.000000000e+00;
	v1 =	vimm.f32 $0.0e+00;
	s13 =	sadd.s32 $0x11800, s4;
	s14 =	sadd.s32 $0xD600, s14;
	s20 =	sshrl.u32 s4, $0x3  }
.LBB2_1:
0x10: {  	s22 =	simm.s32 $0x200;
	s23 =	simm.s32 $0x0  }
.LBB2_2:
0x11: {  	p0 =	sne.s32 s22, $0x9E00;
	[tilespmem:s23+$0x80] =	vst v0;
	s24 =	smov.u32 s22;
	s22 =	sadd.s32 $0x200, s22  }
.Ltmp0:
0x12: {  	[tilespmem:s23+$0x2880] =	vst v1;
	(pc) =	sbr.rel @p0 .LBB2_2-.Ltmp0, $2  }
0x13: {  	_ =	sdelay $0x2  }
0x14: {  	s23 =	sshra.s32 s24, $0x2  }
0x15: {  	[tilespmem:s23+$0x80] =	vst v0  }
0x16: {  	[tilespmem:s23+$0x2880] =	vst v1  }
0x17: {  	[spmem:s4] =	stream.linear.scatter [tilespmem:s15], [sflag:$0x1], $0x2800, $0x38;
	[tilespmem:$0x7880] =	vst v63  }
0x18: {  	_ =	swait.ge [sflag:s16], $0x2800  }
0x19: {  	[sflag:s16] =	ssyncset.done $0x0  }
0x1a: {  	[sflag:s16] =	ssyncadd.s32 $0xFFFFD800  }
0x1b: {  	[spmem:s7] =	stream.linear.scatter [tilespmem:s15], [sflag:$0x1], $0x2800, $0x38;
	[tilespmem:$0x7880] =	vst v63  }
0x1c: {  	_ =	swait.ge [sflag:s16], $0x2800  }
0x1d: {  	[sflag:s16] =	ssyncset.done $0x0  }
0x1e: {  	[sflag:s16] =	ssyncadd.s32 $0xFFFFD800  }
0x1f: {  	[spmem:s8] =	stream.linear.scatter [tilespmem:s15], [sflag:$0x1], $0x2800, $0x38;
	[tilespmem:$0x7880] =	vst v63  }
0x20: {  	_ =	swait.ge [sflag:s16], $0x2800  }
0x21: {  	[sflag:s16] =	ssyncset.done $0x0  }
0x22: {  	[sflag:s16] =	ssyncadd.s32 $0xFFFFD800  }
0x23: {  	[spmem:s9] =	stream.linear.scatter [tilespmem:s15], [sflag:$0x1], $0x2800, $0x38;
	[tilespmem:$0x7880] =	vst v63  }
0x24: {  	_ =	swait.ge [sflag:s16], $0x2800  }
0x25: {  	[sflag:s16] =	ssyncset.done $0x0  }
0x26: {  	[sflag:s16] =	ssyncadd.s32 $0xFFFFD800  }
0x27: {  	[spmem:s10] =	stream.linear.scatter [tilespmem:s15], [sflag:$0x1], $0x2800, $0x38;
	[tilespmem:$0x7880] =	vst v63  }
0x28: {  	_ =	swait.ge [sflag:s16], $0x2800  }
0x29: {  	[sflag:s16] =	ssyncset.done $0x0  }
0x2a: {  	[sflag:s16] =	ssyncadd.s32 $0xFFFFD800  }
0x2b: {  	[spmem:s11] =	stream.linear.scatter [tilespmem:s15], [sflag:$0x1], $0x2800, $0x38;
	[tilespmem:$0x7880] =	vst v63  }
0x2c: {  	_ =	swait.ge [sflag:s16], $0x2800  }
0x2d: {  	[sflag:s16] =	ssyncset.done $0x0  }
0x2e: {  	[sflag:s16] =	ssyncadd.s32 $0xFFFFD800  }
0x2f: {  	[spmem:s12] =	stream.linear.scatter [tilespmem:s15], [sflag:$0x1], $0x2800, $0x38;
	[tilespmem:$0x7880] =	vst v63  }
0x30: {  	_ =	swait.ge [sflag:s16], $0x2800  }
0x31: {  	[sflag:s16] =	ssyncset.done $0x0  }
0x32: {  	[sflag:s16] =	ssyncadd.s32 $0xFFFFD800  }
0x33: {  	[spmem:s13] =	stream.linear.scatter [tilespmem:s15], [sflag:$0x1], $0x2800, $0x38;
	[tilespmem:$0x7880] =	vst v63  }
0x34: {  	_ =	swait.ge [sflag:s16], $0x2800  }
0x35: {  	[sflag:s16] =	ssyncset.done $0x0  }
0x36: {  	[sflag:s16] =	ssyncadd.s32 $0xFFFFD800  }
0x37: {  	s22 =	sadd.s32 $0x0, s14;
	[bflag:$0x0] =	sbarrier.arrive $0xFFFF  }
0x38: {  	[tilespmem:s3], [sflag:$0x1] =	stream.linear.gather [hbm4b:s22+s3], $0x50, $0x38;
	[tilespmem:$0x7880] =	vst v63  }
0x39: {  	_ =	swait.ge [sflag:s16], $0x50  }
0x3a: {  	[sflag:s16] =	ssyncset.done $0x0  }
0x3b: {  	[sflag:s16] =	ssyncadd.s32 $0xFFFFFFB0  }
0x3c: {  	[spmem:s2] =	stream.indirect.scatter.add.f32 [tilespmem:s18], [sflag:$0x1], $0x10, s3, s17, $0xb8;
	[tilespmem:$0x7880] =	vst v63  }
0x3d: {  	_ =	swait.ge [sflag:s16], $0x500  }
0x3e: {  	s23 =	simm.s32 $0x14;
	s22 =	simm.s32 $0xA;
	[sflag:s16] =	ssyncset.done $0x0  }
.LBB2_4:
0x3f: {  	s24 =	sadd.s32 s22, s14  }
0x40: {  	[sflag:s16] =	ssyncadd.s32 $0xFFFFFB00;
	s22 =	smov.u32 s23;
	s25 =	sadd.s32 $0xA, s23  }
0x41: {  	[tilespmem:s3], [sflag:$0x1] =	stream.linear.gather [hbm4b:s24+s3], $0x50, $0x38;
	[tilespmem:$0x7880] =	vst v63  }
0x42: {  	p0 =	sne.s32 s23, $0x4D8;
	_ =	swait.ge [sflag:s16], $0x50  }
.Ltmp1:
0x43: {  	[sflag:s16] =	ssyncset.done $0x0;
	(pc) =	sbr.rel @p0 .LBB2_4-.Ltmp1, $4  }
0x44: {  	[sflag:s16] =	ssyncadd.s32 $0xFFFFFFB0  }
0x45: {  	[spmem:s2] =	stream.indirect.scatter.add.f32 [tilespmem:s18], [sflag:$0x1], $0x10, s3, s17, $0xb8;
	[tilespmem:$0x7880] =	vst v63  }
0x46: {  	_ =	swait.ge [sflag:s16], $0x500  }
0x47: {  	s23 =	smov.u32 s25;
	[sflag:s16] =	ssyncset.done $0x0  }
0x48: {  	s22 =	sadd.s32 s22, s14;
	[sflag:s16] =	ssyncadd.s32 $0xFFFFFB00  }
0x49: {  	[tilespmem:s3], [sflag:$0x1] =	stream.linear.gather [hbm4b:s22+s3], $0x50, $0x38;
	[tilespmem:$0x7880] =	vst v63  }
0x4a: {  	_ =	swait.ge [sflag:s16], $0x50  }
0x4b: {  	[sflag:s16] =	ssyncset.done $0x0  }
0x4c: {  	[sflag:s16] =	ssyncadd.s32 $0xFFFFFFB0  }
0x4d: {  	[spmem:s2] =	stream.indirect.scatter.add.f32 [tilespmem:s18], [sflag:$0x1], $0x10, s3, s17, $0xb8;
	[tilespmem:$0x7880] =	vst v63  }
0x4e: {  	_ =	swait.ge [sflag:s16], $0x500  }
0x4f: {  	s21 =	sadd.s32 $0x1, s21;
	[sflag:s16] =	ssyncset.done $0x0  }
0x50: {  	p0 =	sne.s32 s21, s6;
	[sflag:s16] =	ssyncadd.s32 $0xFFFFFB00  }
.Ltmp2:
0x51: {  	[bflag:$0x0] =	sbarrier.arrive $0xFFFF;
	(pc) =	sbr.rel @p0 .LBB2_1-.Ltmp2, $4  }
0x52: {  	[hbm:s5], [sflag:s19] =	dma.local [spmem:s20], $0x2800  }
0x53: {  	_ =	swait.ge [sflag:s16], $0x2800  }
0x54: {  	[sflag:s16] =	ssyncset.done $0x0  }
0x55: {  	[sflag:s16] =	ssyncadd.s32 $0xFFFFD800  }
0x56: {  	_ =	sfence.sel $0x180000  }
0x57: {  	[bflag:$0x0] =	sbarrier.arrive $0xFFFF  }
0x58: {  	p0 =	sne.s32 s0, $0x0;
	_ =	strace $0x90000047  }
0x59: {  	s0 =	sadd.s32 @!p0 $0x100000, s1;
	[bflag:$0x2] =	sbarrier.arrive $0xFFFF  }
0x5a: {  	[sflag:s0] =	ssyncadd.tile.s32 @!p0 $0x1;
	_ =	shalt  }
.Lfunc_end2:
_tile_overlayer_lowered:
.L_overlay_start_2:
0x5b: {  	(tag) =	ssettag $0x2  }
0x5c: {  	s0 =	rddreg [dreg:$0x0];
	s2 =	stileid.u32  }
0x5d: {  	s1 =	rddreg [dreg:$0x1];
	p0 =	sne.s32 s2, $0x0  }
0x5e: {  	s3 =	rddreg [dreg:$0x2];
	[bflag:$0x3] =	sbarrier.arrive $0xFFFF;
	s2 =	simm.s32 @!p0 $0x1C01  }
0x5f: {  	[timem:s3], [sflag:s2] =	dma.local @!p0 [hbm:s0], s1  }
0x60: {  	s0 =	simm.s32 @!p0 $0x1  }
0x61: {  	_ =	swait.ge @!p0 [sflag:s0], s1  }
0x62: {  	s1 =	ssub.s32 @!p0 $0x0, s1;
	[sflag:s0] =	ssyncset.done @!p0 $0x0  }
0x63: {  	[sflag:s0] =	ssyncadd.s32 @!p0 s1  }
0x64: {  	[bflag:$0x3] =	sbarrier.arrive $0xFFFF  }
0x65: {  	_ =	shalt  }

</sc_bundles>
